<compile_context>
chip_gen: v7x
topology: tpu7x:2x2x1
jax: 0.10.2.dev20260603
libtpu: 0.0.44.dev20260713+nightly
codegen_flags: <defaults>
</compile_context>

<pallas_src>
import jax
import jax.numpy as jnp
from jax import lax
from jax.experimental import pallas as pl
from jax.experimental.pallas import tpu as pltpu
from jax.experimental.pallas import tpu_sc as plsc

_NC = 2
_NS = 16
_NW = _NC * _NS
_K = 16
_CHUNK = 1000



def _pre_body(v_ref, ut_ref, vmt_ref, a_ref, b_ref):
    v = v_ref[...]
    a_ref[...] = jnp.dot(v, ut_ref[...], preferred_element_type=jnp.float32)
    b_ref[...] = jnp.dot(v, vmt_ref[...], preferred_element_type=jnp.float32)


def _precompute(V, Ut, Vmt):
    n, _ = V.shape
    k = Ut.shape[1]
    return pl.pallas_call(
        _pre_body,
        out_shape=(
            jax.ShapeDtypeStruct((n, k), jnp.float32),
            jax.ShapeDtypeStruct((n, k), jnp.float32),
        ),
    )(V, Ut, Vmt)



def _gather_body(h_base, n_edges, a_hbm, b_hbm, ei_hbm, oa_hbm, ob_hbm,
                 idx_s, idx_d, rows_a, rows_b, sem_a, sem_b):
    wid = lax.axis_index("s") * _NC + lax.axis_index("c")
    per_w = n_edges // _NW
    n_iter = per_w // _CHUNK

    def chunk_fn(jj, carry):
        base = pl.multiple_of(wid * per_w + jj * _CHUNK, 8)
        pltpu.sync_copy(ei_hbm.at[0, pl.ds(h_base + base, _CHUNK)], idx_s)
        pltpu.sync_copy(ei_hbm.at[1, pl.ds(h_base + base, _CHUNK)], idx_d)
        cp_a = pltpu.async_copy(a_hbm.at[idx_s], rows_a, sem_a)
        cp_b = pltpu.async_copy(b_hbm.at[idx_d], rows_b, sem_b)
        cp_a.wait()
        cp_b.wait()
        pltpu.sync_copy(rows_a, oa_hbm.at[pl.ds(base, _CHUNK)])
        pltpu.sync_copy(rows_b, ob_hbm.at[pl.ds(base, _CHUNK)])
        return carry

    lax.fori_loop(0, n_iter, chunk_fn, 0)


def _sc_gather(A, B, ei, h_base, n_edges):
    import functools
    k = A.shape[1]
    assert (n_edges // _NW) % _CHUNK == 0
    mesh = plsc.VectorSubcoreMesh(
        core_axis_name="c", subcore_axis_name="s",
        num_cores=_NC, num_subcores=_NS)
    return pl.kernel(
        functools.partial(_gather_body, h_base, n_edges),
        out_type=(
            jax.ShapeDtypeStruct((n_edges, k), jnp.float32),
            jax.ShapeDtypeStruct((n_edges, k), jnp.float32),
        ),
        mesh=mesh,
        scratch_types=[
            pltpu.VMEM((_CHUNK,), jnp.int32),
            pltpu.VMEM((_CHUNK,), jnp.int32),
            pltpu.VMEM((_CHUNK, _K), jnp.float32),
            pltpu.VMEM((_CHUNK, _K), jnp.float32),
            pltpu.SemaphoreType.DMA,
            pltpu.SemaphoreType.DMA,
        ],
        compiler_params=pltpu.CompilerParams(use_tc_tiling_on_sc=False),
    )(A, B, ei)



def _tanh_body(a_ref, b_ref, t_ref):
    t_ref[...] = jnp.tanh(a_ref[...] * b_ref[...]).astype(jnp.bfloat16)


def _tanh_packed(A2, B2):
    n_rows, width = A2.shape
    blk = 4000
    grid = n_rows // blk
    spec = pl.BlockSpec((blk, width), lambda i: (i, 0))
    return pl.pallas_call(
        _tanh_body,
        grid=(grid,),
        in_specs=[spec, spec],
        out_specs=spec,
        out_shape=jax.ShapeDtypeStruct((n_rows, width), jnp.bfloat16),
    )(A2, B2)



def _mlp_body(nb0, t0_ref, t1_ref, e_ref, qt_ref, w1e_ref, w2_ref,
              c1_ref, b2_ref, out_ref):
    i = pl.program_id(0)
    t_bf = jnp.where(i < nb0, t0_ref[...], t1_ref[...])
    t = t_bf.astype(jnp.float32)
    e = e_ref[...]
    ea = jnp.where(e >= 0.0, e, 0.01 * e)
    x = (jnp.dot(qt_ref[...], t, preferred_element_type=jnp.float32)
         + jnp.dot(w1e_ref[...], ea, preferred_element_type=jnp.float32)
         + c1_ref[...])
    y = jnp.maximum(x, 0.0)
    out_ref[...] = (jnp.dot(w2_ref[...], y,
                            preferred_element_type=jnp.float32)
                    + b2_ref[...])


def _mlp_t(T0, T1, ET, QT, W1E, W2, c1c, b2c):
    import functools
    k, n_edges = ET.shape
    nb = 32000
    grid = n_edges // nb
    nb0 = T0.shape[1] // nb
    t0_spec = pl.BlockSpec((k, nb), lambda i: (0, jnp.minimum(i, nb0 - 1)))
    t1_spec = pl.BlockSpec(
        (k, nb), lambda i: (0, jnp.maximum(i - nb0, 0)))
    edge_spec = pl.BlockSpec((k, nb), lambda i: (0, i))
    w_spec = pl.BlockSpec((k, k), lambda i: (0, 0))
    bias_spec = pl.BlockSpec((k, 1), lambda i: (0, 0))
    return pl.pallas_call(
        functools.partial(_mlp_body, nb0),
        grid=(grid,),
        in_specs=[t0_spec, t1_spec, edge_spec,
                  w_spec, w_spec, w_spec, bias_spec, bias_spec],
        out_specs=edge_spec,
        out_shape=jax.ShapeDtypeStruct((k, n_edges), jnp.float32),
    )(T0, T1, ET, QT, W1E, W2, c1c, b2c)



def kernel(V, E, edge_index, U, Vm, P, Pb, W1, b1, W2, b2):
    n_edges, k = E.shape
    half = n_edges // 2
    pack = 128 // k
    A, B = _precompute(V, U.T, Vm.T)

    t16s = []
    for h in range(2):
        Asrc, Bdst = _sc_gather(A, B, edge_index, h * half, half)
        t_p = _tanh_packed(Asrc.reshape(half // pack, 128),
                           Bdst.reshape(half // pack, 128))
        t16s.append(t_p.reshape(half, k).T)

    ET = E.T
    W1h_T = W1[:, :k].T
    Q = P.T @ W1h_T
    c1 = Pb @ W1h_T + b1
    out_t = _mlp_t(t16s[0], t16s[1], ET, Q.T, W1[:, k:], W2,
                   c1.reshape(k, 1), b2.reshape(k, 1))
    return out_t.T

# --- scband reference (transcript-rebuilt; emitter-appended) ---
"""Pipeline reference for scband-e-cat-52123723105114 (READ-ONLY COPY).

The authoritative reference and input builder live on the scoring server;
editing this copy changes nothing except your own understanding.
"""

import jax, jax.numpy as jnp
import numpy as np

N_NODES = 10000
N_EDGES = 320000
NODE_DIM = 128
EDGE_DIM = 16


def setup_inputs(seed: int = 0) -> dict:
    key = jax.random.key(seed)
    ks = jax.random.split(key, 12)
    V = jax.random.normal(ks[0], (N_NODES, NODE_DIM), dtype=jnp.float32)
    E = jax.random.normal(ks[1], (N_EDGES, EDGE_DIM), dtype=jnp.float32)
    edge_index = jax.random.randint(ks[2], (2, N_EDGES), 0, N_NODES, dtype=jnp.int32)
    # EdgePooling params (torch Linear: y = x @ W.T + b)
    U = jax.random.normal(ks[3], (EDGE_DIM, NODE_DIM), dtype=jnp.float32) / np.sqrt(NODE_DIM)
    Vm = jax.random.normal(ks[4], (EDGE_DIM, NODE_DIM), dtype=jnp.float32) / np.sqrt(NODE_DIM)
    P = jax.random.normal(ks[5], (EDGE_DIM, EDGE_DIM), dtype=jnp.float32) / np.sqrt(EDGE_DIM)
    Pb = jnp.zeros((EDGE_DIM,), dtype=jnp.float32)
    # MLP params: channel_sequence = (2*EDGE_DIM, EDGE_DIM, EDGE_DIM)
    W1 = jax.random.normal(ks[6], (EDGE_DIM, 2 * EDGE_DIM), dtype=jnp.float32) / np.sqrt(2 * EDGE_DIM)
    b1 = jnp.zeros((EDGE_DIM,), dtype=jnp.float32)
    W2 = jax.random.normal(ks[7], (EDGE_DIM, EDGE_DIM), dtype=jnp.float32) / np.sqrt(EDGE_DIM)
    b2 = jnp.zeros((EDGE_DIM,), dtype=jnp.float32)
    return {"V": V, "E": E, "edge_index": edge_index, "U": U, "Vm": Vm,
            "P": P, "Pb": Pb, "W1": W1, "b1": b1, "W2": W2, "b2": b2}


def reference(V, E, edge_index, U, Vm, P, Pb, W1, b1, W2, b2):
    src = edge_index[0]
    dst = edge_index[1]
    # E = act(E)  (LeakyReLU, torch default negative_slope=0.01)
    E_act = jax.nn.leaky_relu(E, negative_slope=0.01)
    # EdgePooling(src V, dst V): P(tanh(U(E1) * V(E2)))
    Vs = jnp.take(V, src, axis=0)
    Vd = jnp.take(V, dst, axis=0)
    h = (Vs @ U.T) * (Vd @ Vm.T)
    h = jnp.tanh(h) @ P.T + Pb
    # concat with edge features, then MLP (Linear-ReLU-Linear)
    x = jnp.concatenate([h, E_act], axis=-1)
    x = jax.nn.relu(x @ W1.T + b1)
    x = x @ W2.T + b2
    return x

if __name__ == "__main__":
    import jax
    _d = setup_inputs()
    print(jax.jit(kernel)(*tuple(_d.values())))

</pallas_src>

<mosaic_0001>
#map = affine_map<(d0, d1) -> (0, 0)>
module attributes {stable_mosaic.version = 14 : i64} {
  func.func @_gather_body(%arg0: i32, %arg1: i32, %arg2: memref<10000x16xf32, #tpu.memory_space<hbm>>, %arg3: memref<10000x16xf32, #tpu.memory_space<hbm>>, %arg4: memref<2x320000xi32, #tpu.memory_space<hbm>>, %arg5: memref<160000x16xf32, #tpu.memory_space<hbm>>, %arg6: memref<160000x16xf32, #tpu.memory_space<hbm>>, %arg7: memref<1000xi32, #tpu.memory_space<vmem>>, %arg8: memref<1000xi32, #tpu.memory_space<vmem>>, %arg9: memref<1000x16xf32, #tpu.memory_space<vmem>>, %arg10: memref<1000x16xf32, #tpu.memory_space<vmem>>, %arg11: memref<!tpu.dma_semaphore, #tpu.memory_space<semaphore_mem>>, %arg12: memref<!tpu.dma_semaphore, #tpu.memory_space<semaphore_mem>>) attributes {dimension_semantics = [#tpu.dimension_semantics<core_parallel>, #tpu.dimension_semantics<subcore_parallel>], iteration_bounds = array<i64: 2, 16>, scalar_prefetch = 0 : i64, scratch_operands = 6 : i64, tpu.core_type = #tpu.core_type<sc_vector_subcore>, window_params = [{transform_indices = #map}, {transform_indices = #map}, {transform_indices = #map}, {transform_indices = #map}, {transform_indices = #map}]} {
    %mul3A = arith.constant 2 : i32
    %mul3A_0 = arith.muli %arg1, %mul3A : i32
    %add3A = arith.addi %mul3A_0, %arg0 : i32
    %scan3A = arith.constant 0 : i32
    %scan3A_1 = arith.constant 0 : i32
    %scan3A_2 = arith.constant 5 : i32
    %scan3A_3 = arith.addi %scan3A_1, %scan3A_2 : i32
    %scan3A_4 = arith.constant 1 : i32
    scf.for %scan3A_6 = %scan3A_1 to %scan3A_3 step %scan3A_4  : i32 {
      %mul3A_7 = arith.constant 5000 : i32
      %mul3A_8 = arith.muli %add3A, %mul3A_7 : i32
      %mul3A_9 = arith.constant 1000 : i32
      %mul3A_10 = arith.muli %scan3A_6, %mul3A_9 : i32
      %add3A_11 = arith.addi %mul3A_8, %mul3A_10 : i32
      %multiple_of3A = tpu.assume_multiple %add3A_11, 8 : i32
      %add3A_12 = arith.constant 160000 : i32
      %add3A_13 = arith.addi %add3A_12, %multiple_of3A : i32
      %run_scoped3A = arith.constant 0 : i32
      "tpu.region"() ({
        %run_scoped3A_27 = tpu.sem_alloc : memref<!tpu.dma_semaphore, #tpu.memory_space<semaphore_mem>>
        %dma_start3A_28 = tpu.memref_slice %arg4[%run_scoped3A, %add3A_13] : memref<2x320000xi32, #tpu.memory_space<hbm>> -> memref<1x1000xi32, #tpu.memory_space<hbm>>
        %dma_start3A_29 = tpu.memref_squeeze %dma_start3A_28 : memref<1x1000xi32, #tpu.memory_space<hbm>> -> memref<1000xi32, #tpu.memory_space<hbm>>
        %dma_start3A_30 = tpu.memref_slice %arg4[%run_scoped3A, %add3A_13] : memref<2x320000xi32, #tpu.memory_space<hbm>> -> memref<1x1000xi32, #tpu.memory_space<hbm>>
        %dma_start3A_31 = tpu.memref_squeeze %dma_start3A_30 : memref<1x1000xi32, #tpu.memory_space<hbm>> -> memref<1000xi32, #tpu.memory_space<hbm>>
        tpu.enqueue_dma source(%dma_start3A_31 : memref<1000xi32, #tpu.memory_space<hbm>>) target(%arg7 : memref<1000xi32, #tpu.memory_space<vmem>>) target_semaphore(%run_scoped3A_27 : memref<!tpu.dma_semaphore, #tpu.memory_space<semaphore_mem>>)
        %dma_wait3A_32 = tpu.memref_slice %arg4[%run_scoped3A, %add3A_13] : memref<2x320000xi32, #tpu.memory_space<hbm>> -> memref<1x1000xi32, #tpu.memory_space<hbm>>
        %dma_wait3A_33 = tpu.memref_squeeze %dma_wait3A_32 : memref<1x1000xi32, #tpu.memory_space<hbm>> -> memref<1000xi32, #tpu.memory_space<hbm>>
        %dma_wait3A_34 = tpu.memref_slice %arg4[%run_scoped3A, %add3A_13] : memref<2x320000xi32, #tpu.memory_space<hbm>> -> memref<1x1000xi32, #tpu.memory_space<hbm>>
        %dma_wait3A_35 = tpu.memref_squeeze %dma_wait3A_34 : memref<1x1000xi32, #tpu.memory_space<hbm>> -> memref<1000xi32, #tpu.memory_space<hbm>>
        tpu.wait_dma2 semaphore(%run_scoped3A_27 : memref<!tpu.dma_semaphore, #tpu.memory_space<semaphore_mem>>) src(%dma_wait3A_35 : memref<1000xi32, #tpu.memory_space<hbm>>) dst(%arg7 : memref<1000xi32, #tpu.memory_space<vmem>>)
        tpu.yield
      }) : () -> ()
      %add3A_14 = arith.constant 160000 : i32
      %add3A_15 = arith.addi %add3A_14, %multiple_of3A : i32
      %run_scoped3A_16 = arith.constant 1 : i32
      "tpu.region"() ({
        %run_scoped3A_27 = tpu.sem_alloc : memref<!tpu.dma_semaphore, #tpu.memory_space<semaphore_mem>>
        %dma_start3A_28 = tpu.memref_slice %arg4[%run_scoped3A_16, %add3A_15] : memref<2x320000xi32, #tpu.memory_space<hbm>> -> memref<1x1000xi32, #tpu.memory_space<hbm>>
        %dma_start3A_29 = tpu.memref_squeeze %dma_start3A_28 : memref<1x1000xi32, #tpu.memory_space<hbm>> -> memref<1000xi32, #tpu.memory_space<hbm>>
        %dma_start3A_30 = tpu.memref_slice %arg4[%run_scoped3A_16, %add3A_15] : memref<2x320000xi32, #tpu.memory_space<hbm>> -> memref<1x1000xi32, #tpu.memory_space<hbm>>
        %dma_start3A_31 = tpu.memref_squeeze %dma_start3A_30 : memref<1x1000xi32, #tpu.memory_space<hbm>> -> memref<1000xi32, #tpu.memory_space<hbm>>
        tpu.enqueue_dma source(%dma_start3A_31 : memref<1000xi32, #tpu.memory_space<hbm>>) target(%arg8 : memref<1000xi32, #tpu.memory_space<vmem>>) target_semaphore(%run_scoped3A_27 : memref<!tpu.dma_semaphore, #tpu.memory_space<semaphore_mem>>)
        %dma_wait3A_32 = tpu.memref_slice %arg4[%run_scoped3A_16, %add3A_15] : memref<2x320000xi32, #tpu.memory_space<hbm>> -> memref<1x1000xi32, #tpu.memory_space<hbm>>
        %dma_wait3A_33 = tpu.memref_squeeze %dma_wait3A_32 : memref<1x1000xi32, #tpu.memory_space<hbm>> -> memref<1000xi32, #tpu.memory_space<hbm>>
        %dma_wait3A_34 = tpu.memref_slice %arg4[%run_scoped3A_16, %add3A_15] : memref<2x320000xi32, #tpu.memory_space<hbm>> -> memref<1x1000xi32, #tpu.memory_space<hbm>>
        %dma_wait3A_35 = tpu.memref_squeeze %dma_wait3A_34 : memref<1x1000xi32, #tpu.memory_space<hbm>> -> memref<1000xi32, #tpu.memory_space<hbm>>
        tpu.wait_dma2 semaphore(%run_scoped3A_27 : memref<!tpu.dma_semaphore, #tpu.memory_space<semaphore_mem>>) src(%dma_wait3A_35 : memref<1000xi32, #tpu.memory_space<hbm>>) dst(%arg8 : memref<1000xi32, #tpu.memory_space<vmem>>)
        tpu.yield
      }) : () -> ()
      %dma_start3A = arith.constant 0 : i32
      %dma_start3A_17 = arith.constant 0 : i32
      %dma_start3A_18 = tpu.memref_slice %arg2[%dma_start3A, %dma_start3A_17] : memref<10000x16xf32, #tpu.memory_space<hbm>> -> memref<10000x16xf32, #tpu.memory_space<hbm>>
      tpu.enqueue_indirect_dma source(%dma_start3A_18 : memref<10000x16xf32, #tpu.memory_space<hbm>>) target(%arg9 : memref<1000x16xf32, #tpu.memory_space<vmem>>) offsets(%arg7 : memref<1000xi32, #tpu.memory_space<vmem>>) semaphore(%arg11 : memref<!tpu.dma_semaphore, #tpu.memory_space<semaphore_mem>>)
      %dma_start3A_19 = arith.constant 0 : i32
      %dma_start3A_20 = arith.constant 0 : i32
      %dma_start3A_21 = tpu.memref_slice %arg3[%dma_start3A_19, %dma_start3A_20] : memref<10000x16xf32, #tpu.memory_space<hbm>> -> memref<10000x16xf32, #tpu.memory_space<hbm>>
      tpu.enqueue_indirect_dma source(%dma_start3A_21 : memref<10000x16xf32, #tpu.memory_space<hbm>>) target(%arg10 : memref<1000x16xf32, #tpu.memory_space<vmem>>) offsets(%arg8 : memref<1000xi32, #tpu.memory_space<vmem>>) semaphore(%arg12 : memref<!tpu.dma_semaphore, #tpu.memory_space<semaphore_mem>>)
      %dma_wait3A = arith.constant 0 : i32
      %dma_wait3A_22 = arith.constant 0 : i32
      %dma_wait3A_23 = tpu.memref_slice %arg2[%dma_wait3A, %dma_wait3A_22] : memref<10000x16xf32, #tpu.memory_space<hbm>> -> memref<10000x16xf32, #tpu.memory_space<hbm>>
      tpu.wait_indirect_dma semaphore(%arg11 : memref<!tpu.dma_semaphore, #tpu.memory_space<semaphore_mem>>) src(%dma_wait3A_23 : memref<10000x16xf32, #tpu.memory_space<hbm>>) dst(%arg9 : memref<1000x16xf32, #tpu.memory_space<vmem>>)
      %dma_wait3A_24 = arith.constant 0 : i32
      %dma_wait3A_25 = arith.constant 0 : i32
      %dma_wait3A_26 = tpu.memref_slice %arg3[%dma_wait3A_24, %dma_wait3A_25] : memref<10000x16xf32, #tpu.memory_space<hbm>> -> memref<10000x16xf32, #tpu.memory_space<hbm>>
      tpu.wait_indirect_dma semaphore(%arg12 : memref<!tpu.dma_semaphore, #tpu.memory_space<semaphore_mem>>) src(%dma_wait3A_26 : memref<10000x16xf32, #tpu.memory_space<hbm>>) dst(%arg10 : memref<1000x16xf32, #tpu.memory_space<vmem>>)
      "tpu.region"() ({
        %run_scoped3A_27 = tpu.sem_alloc : memref<!tpu.dma_semaphore, #tpu.memory_space<semaphore_mem>>
        %dma_start3A_28 = arith.constant 0 : i32
        %dma_start3A_29 = tpu.memref_slice %arg5[%multiple_of3A, %dma_start3A_28] : memref<160000x16xf32, #tpu.memory_space<hbm>> -> memref<1000x16xf32, #tpu.memory_space<hbm>>
        %dma_start3A_30 = arith.constant 0 : i32
        %dma_start3A_31 = tpu.memref_slice %arg5[%multiple_of3A, %dma_start3A_30] : memref<160000x16xf32, #tpu.memory_space<hbm>> -> memref<1000x16xf32, #tpu.memory_space<hbm>>
        tpu.enqueue_dma source(%arg9 : memref<1000x16xf32, #tpu.memory_space<vmem>>) target(%dma_start3A_31 : memref<1000x16xf32, #tpu.memory_space<hbm>>) target_semaphore(%run_scoped3A_27 : memref<!tpu.dma_semaphore, #tpu.memory_space<semaphore_mem>>)
        %dma_wait3A_32 = arith.constant 0 : i32
        %dma_wait3A_33 = tpu.memref_slice %arg5[%multiple_of3A, %dma_wait3A_32] : memref<160000x16xf32, #tpu.memory_space<hbm>> -> memref<1000x16xf32, #tpu.memory_space<hbm>>
        %dma_wait3A_34 = arith.constant 0 : i32
        %dma_wait3A_35 = tpu.memref_slice %arg5[%multiple_of3A, %dma_wait3A_34] : memref<160000x16xf32, #tpu.memory_space<hbm>> -> memref<1000x16xf32, #tpu.memory_space<hbm>>
        tpu.wait_dma2 semaphore(%run_scoped3A_27 : memref<!tpu.dma_semaphore, #tpu.memory_space<semaphore_mem>>) src(%arg9 : memref<1000x16xf32, #tpu.memory_space<vmem>>) dst(%dma_wait3A_35 : memref<1000x16xf32, #tpu.memory_space<hbm>>)
        tpu.yield
      }) : () -> ()
      "tpu.region"() ({
        %run_scoped3A_27 = tpu.sem_alloc : memref<!tpu.dma_semaphore, #tpu.memory_space<semaphore_mem>>
        %dma_start3A_28 = arith.constant 0 : i32
        %dma_start3A_29 = tpu.memref_slice %arg6[%multiple_of3A, %dma_start3A_28] : memref<160000x16xf32, #tpu.memory_space<hbm>> -> memref<1000x16xf32, #tpu.memory_space<hbm>>
        %dma_start3A_30 = arith.constant 0 : i32
        %dma_start3A_31 = tpu.memref_slice %arg6[%multiple_of3A, %dma_start3A_30] : memref<160000x16xf32, #tpu.memory_space<hbm>> -> memref<1000x16xf32, #tpu.memory_space<hbm>>
        tpu.enqueue_dma source(%arg10 : memref<1000x16xf32, #tpu.memory_space<vmem>>) target(%dma_start3A_31 : memref<1000x16xf32, #tpu.memory_space<hbm>>) target_semaphore(%run_scoped3A_27 : memref<!tpu.dma_semaphore, #tpu.memory_space<semaphore_mem>>)
        %dma_wait3A_32 = arith.constant 0 : i32
        %dma_wait3A_33 = tpu.memref_slice %arg6[%multiple_of3A, %dma_wait3A_32] : memref<160000x16xf32, #tpu.memory_space<hbm>> -> memref<1000x16xf32, #tpu.memory_space<hbm>>
        %dma_wait3A_34 = arith.constant 0 : i32
        %dma_wait3A_35 = tpu.memref_slice %arg6[%multiple_of3A, %dma_wait3A_34] : memref<160000x16xf32, #tpu.memory_space<hbm>> -> memref<1000x16xf32, #tpu.memory_space<hbm>>
        tpu.wait_dma2 semaphore(%run_scoped3A_27 : memref<!tpu.dma_semaphore, #tpu.memory_space<semaphore_mem>>) src(%arg10 : memref<1000x16xf32, #tpu.memory_space<vmem>>) dst(%dma_wait3A_35 : memref<1000x16xf32, #tpu.memory_space<hbm>>)
        tpu.yield
      }) : () -> ()
    }
    %scan3A_5 = arith.constant 5 : i32
    return
  }
}

#map = affine_map<(d0, d1) -> (0, 0)>
module attributes {stable_mosaic.version = 14 : i64} {
  func.func @_gather_body(%arg0: i32, %arg1: i32, %arg2: memref<10000x16xf32, #tpu.memory_space<hbm>>, %arg3: memref<10000x16xf32, #tpu.memory_space<hbm>>, %arg4: memref<2x320000xi32, #tpu.memory_space<hbm>>, %arg5: memref<160000x16xf32, #tpu.memory_space<hbm>>, %arg6: memref<160000x16xf32, #tpu.memory_space<hbm>>, %arg7: memref<1000xi32, #tpu.memory_space<vmem>>, %arg8: memref<1000xi32, #tpu.memory_space<vmem>>, %arg9: memref<1000x16xf32, #tpu.memory_space<vmem>>, %arg10: memref<1000x16xf32, #tpu.memory_space<vmem>>, %arg11: memref<!tpu.dma_semaphore, #tpu.memory_space<semaphore_mem>>, %arg12: memref<!tpu.dma_semaphore, #tpu.memory_space<semaphore_mem>>) attributes {dimension_semantics = [#tpu.dimension_semantics<core_parallel>, #tpu.dimension_semantics<subcore_parallel>], iteration_bounds = array<i64: 2, 16>, scalar_prefetch = 0 : i64, scratch_operands = 6 : i64, tpu.core_type = #tpu.core_type<sc_vector_subcore>, window_params = [{transform_indices = #map}, {transform_indices = #map}, {transform_indices = #map}, {transform_indices = #map}, {transform_indices = #map}]} {
    %mul3A = arith.constant 2 : i32
    %mul3A_0 = arith.muli %arg1, %mul3A : i32
    %add3A = arith.addi %mul3A_0, %arg0 : i32
    %scan3A = arith.constant 0 : i32
    %scan3A_1 = arith.constant 0 : i32
    %scan3A_2 = arith.constant 5 : i32
    %scan3A_3 = arith.addi %scan3A_1, %scan3A_2 : i32
    %scan3A_4 = arith.constant 1 : i32
    scf.for %scan3A_6 = %scan3A_1 to %scan3A_3 step %scan3A_4  : i32 {
      %mul3A_7 = arith.constant 5000 : i32
      %mul3A_8 = arith.muli %add3A, %mul3A_7 : i32
      %mul3A_9 = arith.constant 1000 : i32
      %mul3A_10 = arith.muli %scan3A_6, %mul3A_9 : i32
      %add3A_11 = arith.addi %mul3A_8, %mul3A_10 : i32
      %multiple_of3A = tpu.assume_multiple %add3A_11, 8 : i32
      %add3A_12 = arith.constant 0 : i32
      %add3A_13 = arith.addi %add3A_12, %multiple_of3A : i32
      %run_scoped3A = arith.constant 0 : i32
      "tpu.region"() ({
        %run_scoped3A_27 = tpu.sem_alloc : memref<!tpu.dma_semaphore, #tpu.memory_space<semaphore_mem>>
        %dma_start3A_28 = tpu.memref_slice %arg4[%run_scoped3A, %add3A_13] : memref<2x320000xi32, #tpu.memory_space<hbm>> -> memref<1x1000xi32, #tpu.memory_space<hbm>>
        %dma_start3A_29 = tpu.memref_squeeze %dma_start3A_28 : memref<1x1000xi32, #tpu.memory_space<hbm>> -> memref<1000xi32, #tpu.memory_space<hbm>>
        %dma_start3A_30 = tpu.memref_slice %arg4[%run_scoped3A, %add3A_13] : memref<2x320000xi32, #tpu.memory_space<hbm>> -> memref<1x1000xi32, #tpu.memory_space<hbm>>
        %dma_start3A_31 = tpu.memref_squeeze %dma_start3A_30 : memref<1x1000xi32, #tpu.memory_space<hbm>> -> memref<1000xi32, #tpu.memory_space<hbm>>
        tpu.enqueue_dma source(%dma_start3A_31 : memref<1000xi32, #tpu.memory_space<hbm>>) target(%arg7 : memref<1000xi32, #tpu.memory_space<vmem>>) target_semaphore(%run_scoped3A_27 : memref<!tpu.dma_semaphore, #tpu.memory_space<semaphore_mem>>)
        %dma_wait3A_32 = tpu.memref_slice %arg4[%run_scoped3A, %add3A_13] : memref<2x320000xi32, #tpu.memory_space<hbm>> -> memref<1x1000xi32, #tpu.memory_space<hbm>>
        %dma_wait3A_33 = tpu.memref_squeeze %dma_wait3A_32 : memref<1x1000xi32, #tpu.memory_space<hbm>> -> memref<1000xi32, #tpu.memory_space<hbm>>
        %dma_wait3A_34 = tpu.memref_slice %arg4[%run_scoped3A, %add3A_13] : memref<2x320000xi32, #tpu.memory_space<hbm>> -> memref<1x1000xi32, #tpu.memory_space<hbm>>
        %dma_wait3A_35 = tpu.memref_squeeze %dma_wait3A_34 : memref<1x1000xi32, #tpu.memory_space<hbm>> -> memref<1000xi32, #tpu.memory_space<hbm>>
        tpu.wait_dma2 semaphore(%run_scoped3A_27 : memref<!tpu.dma_semaphore, #tpu.memory_space<semaphore_mem>>) src(%dma_wait3A_35 : memref<1000xi32, #tpu.memory_space<hbm>>) dst(%arg7 : memref<1000xi32, #tpu.memory_space<vmem>>)
        tpu.yield
      }) : () -> ()
      %add3A_14 = arith.constant 0 : i32
      %add3A_15 = arith.addi %add3A_14, %multiple_of3A : i32
      %run_scoped3A_16 = arith.constant 1 : i32
      "tpu.region"() ({
        %run_scoped3A_27 = tpu.sem_alloc : memref<!tpu.dma_semaphore, #tpu.memory_space<semaphore_mem>>
        %dma_start3A_28 = tpu.memref_slice %arg4[%run_scoped3A_16, %add3A_15] : memref<2x320000xi32, #tpu.memory_space<hbm>> -> memref<1x1000xi32, #tpu.memory_space<hbm>>
        %dma_start3A_29 = tpu.memref_squeeze %dma_start3A_28 : memref<1x1000xi32, #tpu.memory_space<hbm>> -> memref<1000xi32, #tpu.memory_space<hbm>>
        %dma_start3A_30 = tpu.memref_slice %arg4[%run_scoped3A_16, %add3A_15] : memref<2x320000xi32, #tpu.memory_space<hbm>> -> memref<1x1000xi32, #tpu.memory_space<hbm>>
        %dma_start3A_31 = tpu.memref_squeeze %dma_start3A_30 : memref<1x1000xi32, #tpu.memory_space<hbm>> -> memref<1000xi32, #tpu.memory_space<hbm>>
        tpu.enqueue_dma source(%dma_start3A_31 : memref<1000xi32, #tpu.memory_space<hbm>>) target(%arg8 : memref<1000xi32, #tpu.memory_space<vmem>>) target_semaphore(%run_scoped3A_27 : memref<!tpu.dma_semaphore, #tpu.memory_space<semaphore_mem>>)
        %dma_wait3A_32 = tpu.memref_slice %arg4[%run_scoped3A_16, %add3A_15] : memref<2x320000xi32, #tpu.memory_space<hbm>> -> memref<1x1000xi32, #tpu.memory_space<hbm>>
        %dma_wait3A_33 = tpu.memref_squeeze %dma_wait3A_32 : memref<1x1000xi32, #tpu.memory_space<hbm>> -> memref<1000xi32, #tpu.memory_space<hbm>>
        %dma_wait3A_34 = tpu.memref_slice %arg4[%run_scoped3A_16, %add3A_15] : memref<2x320000xi32, #tpu.memory_space<hbm>> -> memref<1x1000xi32, #tpu.memory_space<hbm>>
        %dma_wait3A_35 = tpu.memref_squeeze %dma_wait3A_34 : memref<1x1000xi32, #tpu.memory_space<hbm>> -> memref<1000xi32, #tpu.memory_space<hbm>>
        tpu.wait_dma2 semaphore(%run_scoped3A_27 : memref<!tpu.dma_semaphore, #tpu.memory_space<semaphore_mem>>) src(%dma_wait3A_35 : memref<1000xi32, #tpu.memory_space<hbm>>) dst(%arg8 : memref<1000xi32, #tpu.memory_space<vmem>>)
        tpu.yield
      }) : () -> ()
      %dma_start3A = arith.constant 0 : i32
      %dma_start3A_17 = arith.constant 0 : i32
      %dma_start3A_18 = tpu.memref_slice %arg2[%dma_start3A, %dma_start3A_17] : memref<10000x16xf32, #tpu.memory_space<hbm>> -> memref<10000x16xf32, #tpu.memory_space<hbm>>
      tpu.enqueue_indirect_dma source(%dma_start3A_18 : memref<10000x16xf32, #tpu.memory_space<hbm>>) target(%arg9 : memref<1000x16xf32, #tpu.memory_space<vmem>>) offsets(%arg7 : memref<1000xi32, #tpu.memory_space<vmem>>) semaphore(%arg11 : memref<!tpu.dma_semaphore, #tpu.memory_space<semaphore_mem>>)
      %dma_start3A_19 = arith.constant 0 : i32
      %dma_start3A_20 = arith.constant 0 : i32
      %dma_start3A_21 = tpu.memref_slice %arg3[%dma_start3A_19, %dma_start3A_20] : memref<10000x16xf32, #tpu.memory_space<hbm>> -> memref<10000x16xf32, #tpu.memory_space<hbm>>
      tpu.enqueue_indirect_dma source(%dma_start3A_21 : memref<10000x16xf32, #tpu.memory_space<hbm>>) target(%arg10 : memref<1000x16xf32, #tpu.memory_space<vmem>>) offsets(%arg8 : memref<1000xi32, #tpu.memory_space<vmem>>) semaphore(%arg12 : memref<!tpu.dma_semaphore, #tpu.memory_space<semaphore_mem>>)
      %dma_wait3A = arith.constant 0 : i32
      %dma_wait3A_22 = arith.constant 0 : i32
      %dma_wait3A_23 = tpu.memref_slice %arg2[%dma_wait3A, %dma_wait3A_22] : memref<10000x16xf32, #tpu.memory_space<hbm>> -> memref<10000x16xf32, #tpu.memory_space<hbm>>
      tpu.wait_indirect_dma semaphore(%arg11 : memref<!tpu.dma_semaphore, #tpu.memory_space<semaphore_mem>>) src(%dma_wait3A_23 : memref<10000x16xf32, #tpu.memory_space<hbm>>) dst(%arg9 : memref<1000x16xf32, #tpu.memory_space<vmem>>)
      %dma_wait3A_24 = arith.constant 0 : i32
      %dma_wait3A_25 = arith.constant 0 : i32
      %dma_wait3A_26 = tpu.memref_slice %arg3[%dma_wait3A_24, %dma_wait3A_25] : memref<10000x16xf32, #tpu.memory_space<hbm>> -> memref<10000x16xf32, #tpu.memory_space<hbm>>
      tpu.wait_indirect_dma semaphore(%arg12 : memref<!tpu.dma_semaphore, #tpu.memory_space<semaphore_mem>>) src(%dma_wait3A_26 : memref<10000x16xf32, #tpu.memory_space<hbm>>) dst(%arg10 : memref<1000x16xf32, #tpu.memory_space<vmem>>)
      "tpu.region"() ({
        %run_scoped3A_27 = tpu.sem_alloc : memref<!tpu.dma_semaphore, #tpu.memory_space<semaphore_mem>>
        %dma_start3A_28 = arith.constant 0 : i32
        %dma_start3A_29 = tpu.memref_slice %arg5[%multiple_of3A, %dma_start3A_28] : memref<160000x16xf32, #tpu.memory_space<hbm>> -> memref<1000x16xf32, #tpu.memory_space<hbm>>
        %dma_start3A_30 = arith.constant 0 : i32
        %dma_start3A_31 = tpu.memref_slice %arg5[%multiple_of3A, %dma_start3A_30] : memref<160000x16xf32, #tpu.memory_space<hbm>> -> memref<1000x16xf32, #tpu.memory_space<hbm>>
        tpu.enqueue_dma source(%arg9 : memref<1000x16xf32, #tpu.memory_space<vmem>>) target(%dma_start3A_31 : memref<1000x16xf32, #tpu.memory_space<hbm>>) target_semaphore(%run_scoped3A_27 : memref<!tpu.dma_semaphore, #tpu.memory_space<semaphore_mem>>)
        %dma_wait3A_32 = arith.constant 0 : i32
        %dma_wait3A_33 = tpu.memref_slice %arg5[%multiple_of3A, %dma_wait3A_32] : memref<160000x16xf32, #tpu.memory_space<hbm>> -> memref<1000x16xf32, #tpu.memory_space<hbm>>
        %dma_wait3A_34 = arith.constant 0 : i32
        %dma_wait3A_35 = tpu.memref_slice %arg5[%multiple_of3A, %dma_wait3A_34] : memref<160000x16xf32, #tpu.memory_space<hbm>> -> memref<1000x16xf32, #tpu.memory_space<hbm>>
        tpu.wait_dma2 semaphore(%run_scoped3A_27 : memref<!tpu.dma_semaphore, #tpu.memory_space<semaphore_mem>>) src(%arg9 : memref<1000x16xf32, #tpu.memory_space<vmem>>) dst(%dma_wait3A_35 : memref<1000x16xf32, #tpu.memory_space<hbm>>)
        tpu.yield
      }) : () -> ()
      "tpu.region"() ({
        %run_scoped3A_27 = tpu.sem_alloc : memref<!tpu.dma_semaphore, #tpu.memory_space<semaphore_mem>>
        %dma_start3A_28 = arith.constant 0 : i32
        %dma_start3A_29 = tpu.memref_slice %arg6[%multiple_of3A, %dma_start3A_28] : memref<160000x16xf32, #tpu.memory_space<hbm>> -> memref<1000x16xf32, #tpu.memory_space<hbm>>
        %dma_start3A_30 = arith.constant 0 : i32
        %dma_start3A_31 = tpu.memref_slice %arg6[%multiple_of3A, %dma_start3A_30] : memref<160000x16xf32, #tpu.memory_space<hbm>> -> memref<1000x16xf32, #tpu.memory_space<hbm>>
        tpu.enqueue_dma source(%arg10 : memref<1000x16xf32, #tpu.memory_space<vmem>>) target(%dma_start3A_31 : memref<1000x16xf32, #tpu.memory_space<hbm>>) target_semaphore(%run_scoped3A_27 : memref<!tpu.dma_semaphore, #tpu.memory_space<semaphore_mem>>)
        %dma_wait3A_32 = arith.constant 0 : i32
        %dma_wait3A_33 = tpu.memref_slice %arg6[%multiple_of3A, %dma_wait3A_32] : memref<160000x16xf32, #tpu.memory_space<hbm>> -> memref<1000x16xf32, #tpu.memory_space<hbm>>
        %dma_wait3A_34 = arith.constant 0 : i32
        %dma_wait3A_35 = tpu.memref_slice %arg6[%multiple_of3A, %dma_wait3A_34] : memref<160000x16xf32, #tpu.memory_space<hbm>> -> memref<1000x16xf32, #tpu.memory_space<hbm>>
        tpu.wait_dma2 semaphore(%run_scoped3A_27 : memref<!tpu.dma_semaphore, #tpu.memory_space<semaphore_mem>>) src(%arg10 : memref<1000x16xf32, #tpu.memory_space<vmem>>) dst(%dma_wait3A_35 : memref<1000x16xf32, #tpu.memory_space<hbm>>)
        tpu.yield
      }) : () -> ()
    }
    %scan3A_5 = arith.constant 5 : i32
    return
  }
}

module attributes {stable_mosaic.version = 14 : i64} {
  func.func @_pre_body(%arg0: memref<10000x128xf32, #tpu.memory_space<vmem>>, %arg1: memref<128x16xf32, #tpu.memory_space<vmem>>, %arg2: memref<128x16xf32, #tpu.memory_space<vmem>>, %arg3: memref<10000x16xf32, #tpu.memory_space<vmem>>, %arg4: memref<10000x16xf32, #tpu.memory_space<vmem>>) attributes {dimension_semantics = [], scalar_prefetch = 0 : i64, scratch_operands = 0 : i64, tpu.core_type = #tpu.core_type<tc>} {
    %get3A = arith.constant 0 : index
    %get3A_0 = arith.constant 0 : index
    %get3A_1 = vector.load %arg0[%get3A, %get3A_0] : memref<10000x128xf32, #tpu.memory_space<vmem>>, vector<10000x128xf32>
    %get3A_2 = arith.constant 0 : index
    %get3A_3 = arith.constant 0 : index
    %get3A_4 = vector.load %arg1[%get3A_2, %get3A_3] : memref<128x16xf32, #tpu.memory_space<vmem>>, vector<128x16xf32>
    %dot_general3A = arith.constant dense<0.000000e+00> : vector<10000x16xf32>
    %dot_general3A_5 = tpu.matmul %get3A_1, %get3A_4, %dot_general3A {dimension_numbers = #tpu.dot_dimension_numbers<[1], [0], [0], [1], [0, 0, 1, 1], [], []>, transpose_lhs_hint = false} : vector<10000x128xf32>, vector<128x16xf32>, vector<10000x16xf32> -> vector<10000x16xf32>
    %swap3A = arith.constant 0 : index
    %swap3A_6 = arith.constant 0 : index
    %swap3A_7 = vector.load %arg3[%swap3A, %swap3A_6] : memref<10000x16xf32, #tpu.memory_space<vmem>>, vector<10000x16xf32>
    tpu.vector_store %arg3[%swap3A, %swap3A_6], %dot_general3A_5 {strides = array<i32>} : memref<10000x16xf32, #tpu.memory_space<vmem>>, vector<10000x16xf32>,
    %get3A_8 = arith.constant 0 : index
    %get3A_9 = arith.constant 0 : index
    %get3A_10 = vector.load %arg2[%get3A_8, %get3A_9] : memref<128x16xf32, #tpu.memory_space<vmem>>, vector<128x16xf32>
    %dot_general3A_11 = arith.constant dense<0.000000e+00> : vector<10000x16xf32>
    %dot_general3A_12 = tpu.matmul %get3A_1, %get3A_10, %dot_general3A_11 {dimension_numbers = #tpu.dot_dimension_numbers<[1], [0], [0], [1], [0, 0, 1, 1], [], []>, transpose_lhs_hint = false} : vector<10000x128xf32>, vector<128x16xf32>, vector<10000x16xf32> -> vector<10000x16xf32>
    %swap3A_13 = arith.constant 0 : index
    %swap3A_14 = arith.constant 0 : index
    %swap3A_15 = vector.load %arg4[%swap3A_13, %swap3A_14] : memref<10000x16xf32, #tpu.memory_space<vmem>>, vector<10000x16xf32>
    tpu.vector_store %arg4[%swap3A_13, %swap3A_14], %dot_general3A_12 {strides = array<i32>} : memref<10000x16xf32, #tpu.memory_space<vmem>>, vector<10000x16xf32>,
    return
  }
}

module attributes {stable_mosaic.version = 14 : i64} {
  func.func @_tanh_body(%arg0: i32, %arg1: memref<4000x128xf32, #tpu.memory_space<vmem>>, %arg2: memref<4000x128xf32, #tpu.memory_space<vmem>>, %arg3: memref<4000x128xbf16, #tpu.memory_space<vmem>>) attributes {dimension_semantics = [#tpu.dimension_semantics<arbitrary>], iteration_bounds = array<i64: 5>, scalar_prefetch = 0 : i64, scratch_operands = 0 : i64, tpu.core_type = #tpu.core_type<tc>, window_params = [{transform_indices = @transform_0, window_bounds = array<i64: 4000, 128>}, {transform_indices = @transform_1, window_bounds = array<i64: 4000, 128>}, {transform_indices = @transform_2, window_bounds = array<i64: 4000, 128>}]} {
    %get3A = arith.constant 0 : index
    %get3A_0 = arith.constant 0 : index
    %get3A_1 = vector.load %arg1[%get3A, %get3A_0] : memref<4000x128xf32, #tpu.memory_space<vmem>>, vector<4000x128xf32>
    %get3A_2 = arith.constant 0 : index
    %get3A_3 = arith.constant 0 : index
    %get3A_4 = vector.load %arg2[%get3A_2, %get3A_3] : memref<4000x128xf32, #tpu.memory_space<vmem>>, vector<4000x128xf32>
    %mul3A = arith.mulf %get3A_1, %get3A_4 : vector<4000x128xf32>
    %tanh3A = math.tanh %mul3A : vector<4000x128xf32>
    %convert_element_type3A = arith.truncf %tanh3A : vector<4000x128xf32> to vector<4000x128xbf16>
    %swap3A = arith.constant 0 : index
    %swap3A_5 = arith.constant 0 : index
    %swap3A_6 = vector.load %arg3[%swap3A, %swap3A_5] : memref<4000x128xbf16, #tpu.memory_space<vmem>>, vector<4000x128xbf16>
    tpu.vector_store %arg3[%swap3A, %swap3A_5], %convert_element_type3A {strides = array<i32>} : memref<4000x128xbf16, #tpu.memory_space<vmem>>, vector<4000x128xbf16>,
    return
  }
  func.func @transform_0(%arg0: i32) -> (i32, i32) {
    %c0_i32 = arith.constant 0 : i32
    %c0_i32_0 = arith.constant 0 : i32
    return %arg0, %c0_i32 : i32, i32
  }
  func.func @transform_1(%arg0: i32) -> (i32, i32) {
    %c0_i32 = arith.constant 0 : i32
    %c0_i32_0 = arith.constant 0 : i32
    return %arg0, %c0_i32 : i32, i32
  }
  func.func @transform_2(%arg0: i32) -> (i32, i32) {
    %c0_i32 = arith.constant 0 : i32
    %c0_i32_0 = arith.constant 0 : i32
    return %arg0, %c0_i32 : i32, i32
  }
}

module attributes {stable_mosaic.version = 14 : i64} {
  func.func @_mlp_body(%arg0: i32, %arg1: memref<16x32000xbf16, #tpu.memory_space<vmem>>, %arg2: memref<16x32000xbf16, #tpu.memory_space<vmem>>, %arg3: memref<16x32000xf32, #tpu.memory_space<vmem>>, %arg4: memref<16x16xf32, #tpu.memory_space<vmem>>, %arg5: memref<16x16xf32, #tpu.memory_space<vmem>>, %arg6: memref<16x16xf32, #tpu.memory_space<vmem>>, %arg7: memref<16x1xf32, #tpu.memory_space<vmem>>, %arg8: memref<16x1xf32, #tpu.memory_space<vmem>>, %arg9: memref<16x32000xf32, #tpu.memory_space<vmem>>) attributes {dimension_semantics = [#tpu.dimension_semantics<arbitrary>], iteration_bounds = array<i64: 10>, scalar_prefetch = 0 : i64, scratch_operands = 0 : i64, tpu.core_type = #tpu.core_type<tc>, window_params = [{transform_indices = @transform_0, window_bounds = array<i64: 16, 32000>}, {transform_indices = @transform_1, window_bounds = array<i64: 16, 32000>}, {transform_indices = @transform_2, window_bounds = array<i64: 16, 32000>}, {pipeline_mode = #tpu.pipeline_mode<synchronous>, transform_indices = @transform_3, window_bounds = array<i64: 16, 16>}, {pipeline_mode = #tpu.pipeline_mode<synchronous>, transform_indices = @transform_4, window_bounds = array<i64: 16, 16>}, {pipeline_mode = #tpu.pipeline_mode<synchronous>, transform_indices = @transform_5, window_bounds = array<i64: 16, 16>}, {pipeline_mode = #tpu.pipeline_mode<synchronous>, transform_indices = @transform_6, window_bounds = array<i64: 16, 1>}, {pipeline_mode = #tpu.pipeline_mode<synchronous>, transform_indices = @transform_7, window_bounds = array<i64: 16, 1>}, {transform_indices = @transform_8, window_bounds = array<i64: 16, 32000>}]} {
    %lt3A = arith.constant 5 : i32
    %lt3A_0 = arith.cmpi slt, %arg0, %lt3A : i32
    %get3A = arith.constant 0 : index
    %get3A_1 = arith.constant 0 : index
    %get3A_2 = vector.load %arg1[%get3A, %get3A_1] : memref<16x32000xbf16, #tpu.memory_space<vmem>>, vector<16x32000xbf16>
    %get3A_3 = arith.constant 0 : index
    %get3A_4 = arith.constant 0 : index
    %get3A_5 = vector.load %arg2[%get3A_3, %get3A_4] : memref<16x32000xbf16, #tpu.memory_space<vmem>>, vector<16x32000xbf16>
    %select_n3A = arith.select %lt3A_0, %get3A_2, %get3A_5 : vector<16x32000xbf16>
    %convert_element_type3A = arith.extf %select_n3A : vector<16x32000xbf16> to vector<16x32000xf32>
    %get3A_6 = arith.constant 0 : index
    %get3A_7 = arith.constant 0 : index
    %get3A_8 = vector.load %arg3[%get3A_6, %get3A_7] : memref<16x32000xf32, #tpu.memory_space<vmem>>, vector<16x32000xf32>
    %ge3A = arith.constant 0.000000e+00 : f32
    %ge3A_9 = vector.broadcast %ge3A : f32 to vector<16x32000xf32>
    %ge3A_10 = arith.cmpf oge, %get3A_8, %ge3A_9 : vector<16x32000xf32>
    %mul3A = arith.constant 0.00999999977 : f32
    %mul3A_11 = vector.broadcast %mul3A : f32 to vector<16x32000xf32>
    %mul3A_12 = arith.mulf %mul3A_11, %get3A_8 : vector<16x32000xf32>
    %select_n3A_13 = arith.select %ge3A_10, %get3A_8, %mul3A_12 : vector<16x32000xi1>, vector<16x32000xf32>
    %get3A_14 = arith.constant 0 : index
    %get3A_15 = arith.constant 0 : index
    %get3A_16 = vector.load %arg4[%get3A_14, %get3A_15] : memref<16x16xf32, #tpu.memory_space<vmem>>, vector<16x16xf32>
    %dot_general3A = arith.constant dense<0.000000e+00> : vector<16x32000xf32>
    %dot_general3A_17 = tpu.matmul %get3A_16, %convert_element_type3A, %dot_general3A {dimension_numbers = #tpu.dot_dimension_numbers<[1], [0], [0], [1], [0, 0, 1, 1], [], []>, transpose_lhs_hint = false} : vector<16x16xf32>, vector<16x32000xf32>, vector<16x32000xf32> -> vector<16x32000xf32>
    %get3A_18 = arith.constant 0 : index
    %get3A_19 = arith.constant 0 : index
    %get3A_20 = vector.load %arg5[%get3A_18, %get3A_19] : memref<16x16xf32, #tpu.memory_space<vmem>>, vector<16x16xf32>
    %dot_general3A_21 = arith.constant dense<0.000000e+00> : vector<16x32000xf32>
    %dot_general3A_22 = tpu.matmul %get3A_20, %select_n3A_13, %dot_general3A_21 {dimension_numbers = #tpu.dot_dimension_numbers<[1], [0], [0], [1], [0, 0, 1, 1], [], []>, transpose_lhs_hint = false} : vector<16x16xf32>, vector<16x32000xf32>, vector<16x32000xf32> -> vector<16x32000xf32>
    %add3A = arith.addf %dot_general3A_17, %dot_general3A_22 : vector<16x32000xf32>
    %get3A_23 = arith.constant 0 : index
    %get3A_24 = arith.constant 0 : index
    %get3A_25 = vector.load %arg7[%get3A_23, %get3A_24] : memref<16x1xf32, #tpu.memory_space<vmem>>, vector<16x1xf32>
    %add3A_26 = vector.broadcast %get3A_25 : vector<16x1xf32> to vector<16x32000xf32>
    %add3A_27 = arith.addf %add3A, %add3A_26 : vector<16x32000xf32>
    %max3A = arith.constant 0.000000e+00 : f32
    %max3A_28 = vector.broadcast %max3A : f32 to vector<16x32000xf32>
    %max3A_29 = arith.maximumf %add3A_27, %max3A_28 : vector<16x32000xf32>
    %get3A_30 = arith.constant 0 : index
    %get3A_31 = arith.constant 0 : index
    %get3A_32 = vector.load %arg6[%get3A_30, %get3A_31] : memref<16x16xf32, #tpu.memory_space<vmem>>, vector<16x16xf32>
    %dot_general3A_33 = arith.constant dense<0.000000e+00> : vector<16x32000xf32>
    %dot_general3A_34 = tpu.matmul %get3A_32, %max3A_29, %dot_general3A_33 {dimension_numbers = #tpu.dot_dimension_numbers<[1], [0], [0], [1], [0, 0, 1, 1], [], []>, transpose_lhs_hint = false} : vector<16x16xf32>, vector<16x32000xf32>, vector<16x32000xf32> -> vector<16x32000xf32>
    %get3A_35 = arith.constant 0 : index
    %get3A_36 = arith.constant 0 : index
    %get3A_37 = vector.load %arg8[%get3A_35, %get3A_36] : memref<16x1xf32, #tpu.memory_space<vmem>>, vector<16x1xf32>
    %add3A_38 = vector.broadcast %get3A_37 : vector<16x1xf32> to vector<16x32000xf32>
    %add3A_39 = arith.addf %dot_general3A_34, %add3A_38 : vector<16x32000xf32>
    %swap3A = arith.constant 0 : index
    %swap3A_40 = arith.constant 0 : index
    %swap3A_41 = vector.load %arg9[%swap3A, %swap3A_40] : memref<16x32000xf32, #tpu.memory_space<vmem>>, vector<16x32000xf32>
    tpu.vector_store %arg9[%swap3A, %swap3A_40], %add3A_39 {strides = array<i32>} : memref<16x32000xf32, #tpu.memory_space<vmem>>, vector<16x32000xf32>,
    return
  }
  func.func @transform_0(%arg0: i32) -> (i32, i32) {
    %min3A = arith.constant 4 : i32
    %min3A_0 = arith.minsi %arg0, %min3A : i32
    %c0_i32 = arith.constant 0 : i32
    %c0_i32_1 = arith.constant 0 : i32
    return %c0_i32, %min3A_0 : i32, i32
  }
  func.func @transform_1(%arg0: i32) -> (i32, i32) {
    %sub3A = arith.constant 5 : i32
    %sub3A_0 = arith.subi %arg0, %sub3A : i32
    %max3A = arith.constant 0 : i32
    %max3A_1 = arith.maxsi %sub3A_0, %max3A : i32
    %c0_i32 = arith.constant 0 : i32
    %c0_i32_2 = arith.constant 0 : i32
    return %c0_i32, %max3A_1 : i32, i32
  }
  func.func @transform_2(%arg0: i32) -> (i32, i32) {
    %c0_i32 = arith.constant 0 : i32
    %c0_i32_0 = arith.constant 0 : i32
    return %c0_i32, %arg0 : i32, i32
  }
  func.func @transform_3(%arg0: i32) -> (i32, i32) {
    %c0_i32 = arith.constant 0 : i32
    %c0_i32_0 = arith.constant 0 : i32
    %c0_i32_1 = arith.constant 0 : i32
    return %c0_i32, %c0_i32_0 : i32, i32
  }
  func.func @transform_4(%arg0: i32) -> (i32, i32) {
    %c0_i32 = arith.constant 0 : i32
    %c0_i32_0 = arith.constant 0 : i32
    %c0_i32_1 = arith.constant 0 : i32
    return %c0_i32, %c0_i32_0 : i32, i32
  }
  func.func @transform_5(%arg0: i32) -> (i32, i32) {
    %c0_i32 = arith.constant 0 : i32
    %c0_i32_0 = arith.constant 0 : i32
    %c0_i32_1 = arith.constant 0 : i32
    return %c0_i32, %c0_i32_0 : i32, i32
  }
  func.func @transform_6(%arg0: i32) -> (i32, i32) {
    %c0_i32 = arith.constant 0 : i32
    %c0_i32_0 = arith.constant 0 : i32
    %c0_i32_1 = arith.constant 0 : i32
    return %c0_i32, %c0_i32_0 : i32, i32
  }
  func.func @transform_7(%arg0: i32) -> (i32, i32) {
    %c0_i32 = arith.constant 0 : i32
    %c0_i32_0 = arith.constant 0 : i32
    %c0_i32_1 = arith.constant 0 : i32
    return %c0_i32, %c0_i32_0 : i32, i32
  }
  func.func @transform_8(%arg0: i32) -> (i32, i32) {
    %c0_i32 = arith.constant 0 : i32
    %c0_i32_0 = arith.constant 0 : i32
    return %c0_i32, %arg0 : i32, i32
  }
}

</mosaic_0001>

<sc_bundles>
// kernel: kernel.11.cloned.1.call-start
scs
__scs_entry_jumppad:
0x0: {  	(pc) =	sbr.rel $0x88, $3  }
0x1: {  	(tag) =	ssettag $0x0;
	lr =	simm.s32 $0x1  }
0x2: {  	[smem:$0x3F96] =	sst lr;
	_ =	strace $0xD0000000  }
0x3: {  	_ = 	snop  }
0x4: {  	_ = 	snop  }
0x5: {  	_ = 	snop  }
0x6: {  	_ = 	snop  }
0x7: {  	_ = 	snop  }
__scs_overlays_trampoline_lowered:
0x8: {  	[smem:$0x3FA5] =	sst s0  }
0x9: {  	[smem:$0x3FA6] =	sst s1  }
0xa: {  	[smem:$0x3FA7] =	sst s2  }
0xb: {  	[smem:$0x3FA8] =	sst s3  }
0xc: {  	[smem:$0x3FA9] =	sst s4  }
0xd: {  	[smem:$0x3FAA] =	sst s5  }
0xe: {  	[smem:$0x3FAB] =	sst s6  }
0xf: {  	[smem:$0x3FAC] =	sst s7  }
0x10: {  	[smem:$0x3FAD] =	sst s8  }
0x11: {  	[smem:$0x3FAE] =	sst s9;
	s0 =	simm.s32 @!p0 $0x0  }
0x12: {  	s1 =	sld [smem:$0x3F94];
	s0 =	simm.s32 @p0 $0x1  }
0x13: {  	[smem:$0x3FAF] =	sst s0;
	s0 =	simm.s32 @!p1 $0x0  }
0x14: {  	s2 =	sld [smem:$0x3F93];
	s0 =	simm.s32 @p1 $0x1  }
0x15: {  	[smem:$0x3FB0] =	sst s0;
	s0 =	simm.s32 @!p2 $0x0  }
0x16: {  	s3 =	sld [smem:$0x3FDB];
	s0 =	simm.s32 @p2 $0x1  }
0x17: {  	s4 =	simm.s32 $0x1BF5;
	[smem:$0x3FB2] =	sst s0  }
0x18: {  	s0 =	sld [smem:$0x3F95];
	_ =	swait.ge [sflag:s4], $0x0  }
0x19: {  	s7 =	sld [smem:$0x3F96]  }
0x1a: {  	s8 =	sadd.s32 $0xFFFFE003, lr  }
0x1b: {  	s9 =	sadd.s32 $0xFFFFFEF7, lr;
	s5 =	simm.s32 $0xFFFFFFFF;
	p2 =	slt.u32 s8, $0xFFFFF086  }
0x1c: {  	p1 =	slt.u32 s9, $0xF7A;
	s5 =	simm.s32 @!p2 $0x0  }
0x1d: {  	s5 =	simm.s32 @p1 $0x1;
	p0 =	seq.s32 s7, s2  }
0x1e: {  	s7 =	smul.u32 @!p0 $0xF7A, s2;
	p2 =	seq.s32 @!p0 s5, $0x0  }
0x1f: {  	s9 =	smul.u32 $0xF7A, s1;
	s8 =	simm.s32 @!p0 $0x1BF5;
	p2 =	por !p2, p0  }
0x20: {  	[sflag:s8] =	ssyncset.s32 @!p0 $0xFFFFF086;
	s6 =	sadd.s32 @!p0 s3, s7;
	s7 =	simm.s32 @!p0 $0x108  }
0x21: {  	s3 =	sadd.s32 s3, s9;
	s6 =	sadd.s32 @!p0 $0x88, s6;
	s7 =	simm.s32 @p2 $0x1082  }
0x22: {  	[simem:s7], [sflag:s8] =	dma.local @!p0 [hbm:s6], $0xF7A  }
0x23: {  	s9 =	sor.u32 $0xD0000000, s2;
	s6 =	simm.s32 $0x108;
	_ =	swait.ge @!p0 [sflag:s8], $0x0  }
0x24: {  	s3 =	sadd.s32 $0x88, s3;
	s6 =	simm.s32 @!p1 $0x1082;
	[sflag:s4] =	ssyncset.s32 $0xFFFFF086  }
0x25: {  	[simem:s6], [sflag:s4] =	dma.local [hbm:s3], $0xF7A  }
0x26: {  	[smem:$0x3F96] =	sst s1;
	(tag) =	ssettag s2;
	_ =	strace s9  }
0x27: {  	s1 =	sld [smem:$0x3FA6]  }
0x28: {  	s2 =	sld [smem:$0x3FA7]  }
0x29: {  	s4 =	sld [smem:$0x3FA9]  }
0x2a: {  	p0 =	seq.s32 s5, $0x0;
	s5 =	sld [smem:$0x3FAA]  }
0x2b: {  	s6 =	sld [smem:$0x3FAB]  }
0x2c: {  	s7 =	sld [smem:$0x3FAC]  }
0x2d: {  	s3 =	simm.s32 $0x108;
	s8 =	sld [smem:$0x3FAD]  }
0x2e: {  	s3 =	simm.s32 @!p0 $0x1082;
	s9 =	sld [smem:$0x3FAE]  }
0x2f: {  	lr =	sadd.s32 s0, s3;
	s0 =	sld [smem:$0x3FA5]  }
0x30: {  	s3 =	sld [smem:$0x3FA8]  }
0x31: {  	[smem:$0x3FB1] =	sst s10  }
0x32: {  	s10 =	sld [smem:$0x3FAF];
	_ =	sdelay $0x3  }
0x33: {  	p0 =	seq.s32 s10, $0x1;
	s10 =	sld [smem:$0x3FB1];
	_ =	sdelay $0x3  }
0x34: {  	[smem:$0x3FB1] =	sst s10  }
0x35: {  	s10 =	sld [smem:$0x3FB0];
	_ =	sdelay $0x3  }
0x36: {  	p1 =	seq.s32 s10, $0x1;
	s10 =	sld [smem:$0x3FB1];
	_ =	sdelay $0x3  }
0x37: {  	[smem:$0x3FB1] =	sst s10  }
0x38: {  	s10 =	sld [smem:$0x3FB2]  }
0x39: {  	_ = 	snop;
	(pc) =	sbr.ind lr, $3  }
0x3a: {  	_ = 	snop  }
0x3b: {  	_ = 	snop  }
0x3c: {  	p2 =	seq.s32 s10, $0x1;
	s10 =	sld [smem:$0x3FB1]  }
0x3d: {  	_ =	shalt  }
0x3e: {  	_ =	shalt  }
0x3f: {  	_ =	shalt  }
0x40: {  	_ =	shalt  }
0x41: {  	_ =	shalt  }
0x42: {  	_ =	shalt  }
0x43: {  	_ =	shalt  }
0x44: {  	_ =	shalt  }
0x45: {  	_ =	shalt  }
0x46: {  	_ =	shalt  }
0x47: {  	_ =	shalt  }
0x48: {  	_ =	shalt  }
0x49: {  	_ =	shalt  }
0x4a: {  	_ =	shalt  }
0x4b: {  	_ =	shalt  }
0x4c: {  	_ =	shalt  }
0x4d: {  	_ =	shalt  }
0x4e: {  	_ =	shalt  }
0x4f: {  	_ =	shalt  }
0x50: {  	_ =	shalt  }
0x51: {  	_ =	shalt  }
0x52: {  	_ =	shalt  }
0x53: {  	_ =	shalt  }
0x54: {  	_ =	shalt  }
0x55: {  	_ =	shalt  }
0x56: {  	_ =	shalt  }
0x57: {  	_ =	shalt  }
0x58: {  	_ =	shalt  }
0x59: {  	_ =	shalt  }
0x5a: {  	_ =	shalt  }
0x5b: {  	_ =	shalt  }
0x5c: {  	_ =	shalt  }
0x5d: {  	_ =	shalt  }
0x5e: {  	_ =	shalt  }
0x5f: {  	_ =	shalt  }
0x60: {  	_ =	shalt  }
0x61: {  	_ =	shalt  }
0x62: {  	_ =	shalt  }
0x63: {  	_ =	shalt  }
0x64: {  	_ =	shalt  }
0x65: {  	_ =	shalt  }
0x66: {  	_ =	shalt  }
0x67: {  	_ =	shalt  }
0x68: {  	_ =	shalt  }
0x69: {  	_ =	shalt  }
0x6a: {  	_ =	shalt  }
0x6b: {  	_ =	shalt  }
0x6c: {  	_ =	shalt  }
0x6d: {  	_ =	shalt  }
0x6e: {  	_ =	shalt  }
0x6f: {  	_ =	shalt  }
0x70: {  	_ =	shalt  }
0x71: {  	_ =	shalt  }
0x72: {  	_ =	shalt  }
0x73: {  	_ =	shalt  }
0x74: {  	_ =	shalt  }
0x75: {  	_ =	shalt  }
0x76: {  	_ =	shalt  }
0x77: {  	_ =	shalt  }
0x78: {  	_ =	shalt  }
0x79: {  	_ =	shalt  }
0x7a: {  	_ =	shalt  }
0x7b: {  	_ =	shalt  }
0x7c: {  	_ =	shalt  }
0x7d: {  	_ =	shalt  }
0x7e: {  	_ =	shalt  }
0x7f: {  	_ =	shalt  }
0x80: {  	_ =	shalt  }
0x81: {  	_ =	shalt  }
0x82: {  	_ =	shalt  }
0x83: {  	_ =	shalt  }
0x84: {  	_ =	shalt  }
0x85: {  	_ =	shalt  }
0x86: {  	_ =	shalt  }
0x87: {  	_ =	shalt  }
.Lfunc_end0:
.L_simem_size_0:
called_computation.1_lowered:
.L_overlay_start_0:
0x88: {  	s2 =	sld [smem:$0x3FD9]  }
0x89: {  	s3 =	sld [smem:$0x3FFE];
	_ =	sdelay $0x1  }
0x8a: {  	s1 =	srdreg.scid  }
0x8b: {  	s0 =	sand.u32 $0x1, s1  }
0x8c: {  	s16 =	sshll.u32 s0, $0xA;
	s2 =	sadd.s32 s3, s2  }
0x8d: {  	s2 =	sadd.s32 s2, s16  }
0x8e: {  	[smem:$0x3FBD] =	sst s2  }
0x8f: {  	_ = 	snop  }
0x90: {  	(tm) =	ssettm $0x1  }
0x91: {  	s17 =	sld [smem:$0x3FFB];
	_ =	sdelay $0x3  }
0x92: {  	_ =	strace s17  }
0x93: {  	s2 =	sld [smem:$0x3FFC];
	_ =	sdelay $0x3  }
0x94: {  	_ =	strace s2  }
0x95: {  	s2 =	sld [smem:$0x3FFD];
	_ =	sdelay $0x3  }
0x96: {  	_ =	strace s2  }
0x97: {  	_ =	strace $0x8FFFFFFF  }
0x98: {  	s18 =	sld [smem:$0x3FDB];
	_ =	sdelay $0x1  }
0x99: {  	s19 =	simm.s32 $_scs_section_size  }
0x9a: {  	s4 =	simm.s32 $_size__tile_overlayer_lowered;
	s5 =	simm.s32 $_tile_overlayer_lowered  }
0x9b: {  	s22 =	simm.s32 $0x1BFF;
	s21 =	sshll.u32 s5, $0x1;
	s2 =	sadd.s32 s19, s18  }
0x9c: {  	s6 =	simm.s32 $0x0;
	s20 =	sshll.u32 s4, $0x1;
	s4 =	sadd.s32 s21, s2  }
0x9d: {  	[timem:s6], [sflag:s22] =	dma.local [hbm:s4], s20  }
0x9e: {  	_ =	swait.ge [sflag:s22], s20  }
0x9f: {  	s3 =	ssub.s32 $0x0, s20;
	[sflag:s22] =	ssyncset.done $0x0  }
0xa0: {  	[sflag:s22] =	ssyncadd.s32 s3;
	_ =	sdelay $0x1  }
0xa1: {  	s23 =	simm.s32 $0x1B8B  }
0xa2: {  	_ =	swait.ge [sflag:s23], $0x1  }
0xa3: {  	[sflag:s23] =	ssyncset.done $0x0  }
0xa4: {  	s25 =	simm.s32 $0x1B8E;
	s24 =	sld [smem:$0x3FFE];
	[sflag:s23] =	ssyncadd.s32 $0xFFFFFFFF  }
0xa5: {  	s26 =	simm.s32 $execute0_lowered;
	[smem:$0x3FD2] =	sst s25  }
0xa6: {  	s4 =	sshll.u32 s26, $0x1;
	_ =	strace $0x80000046;
	[dreg:$0x1] =	wrdreg $0xFFFFFFFF  }
0xa7: {  	s28 =	simm.s32 $_size_execute0_lowered;
	s2 =	sadd.s32 s2, s4;
	[dreg:$0x0] =	wrdreg $0x0  }
0xa8: {  	s4 =	sshll.u32 s28, $0x1;
	[dreg:$0x2] =	wrdreg s2  }
0xa9: {  	[dreg:$0x3] =	wrdreg s4  }
0xaa: {  	[dreg:$0x4] =	wrdreg $0xC0  }
0xab: {  	_ =	task [dreg:s6], $0x5FFFF  }
0xac: {  	[dreg:$0x1] =	wrdreg $0xFFFFFFFF  }
0xad: {  	[dreg:$0x0] =	wrdreg $0x60  }
0xae: {  	[dreg:$0x2] =	wrdreg s24  }
0xaf: {  	[dreg:$0x3] =	wrdreg $0xA  }
0xb0: {  	_ =	task.clear_ibuf [dreg:s6], $0x4FFFF;
	_ =	strace $0x90000046  }
0xb1: {  	s29 =	simm.s32 $0xA;
	_ =	strace $0x80000048  }
0xb2: {  	_ =	swait.ge [sflag:s29], $0x1  }
0xb3: {  	[sflag:s29] =	ssyncadd.s32 $0xFFFFFFFF  }
0xb4: {  	_ =	strace $0x90000048  }
0xb5: {  	_ =	sfence  }
0xb6: {  	s30 =	sld [smem:$0x0];
	_ =	sdelay $0x2  }
0xb7: {  	s31 =	sshll.u32 s1, $0xD;
	s1 =	sshrl.u32 s1, $0x2  }
0xb8: {  	s3 =	sand.u32 $0x4000, s31;
	s1 =	sadd.s32 s1, s30  }
0xb9: {  	s0 =	sor.u32 s3, s0;
	s1 =	sshll.u32 s1, $0x11  }
0xba: {  	s0 =	sor.u32 s1, s0  }
0xbb: {  	s0 =	sadd.s32 $0x8F2B, s0  }
0xbc: {  	[sflag:s0] =	ssyncadd.remote.s32 $0x1  }
0xbd: {  	_ =	sfence.sel $0xFFFF  }
0xbe: {  	[dreg:$0x0] =	wrdreg $0xFFFFFFFF;
	(pc) =	sbr.abs _section_cstart, $3  }
0xbf: {  	[dreg:$0x1] =	wrdreg $0xFFFFFFFF  }
0xc0: {  	_ =	task.clear_ibuf [dreg:s6], $0x2FFFF;
	_ =	strace $0x9FFFFFFF  }
0xc1: {  	(tm) =	ssettm $0x7FFFFFFF  }
tec
execute0_lowered:
.L_overlay_start_1:
0x0: {  	(tag) =	ssettag $0x1  }
0x1: {  	s5 =	rddreg [dreg:$0x0]  }
0x2: {  	s0 =	rddreg [dreg:$0x1];
	s2 =	simm.s32 $0x0;
	s1 =	stileid.u32  }
0x3: {  	s3 =	srdreg.scid;
	s13 =	simm.s32 $0x4650;
	s14 =	simm.s32 $0x1  }
0x4: {  	s15 =	simm.s32 $0x2;
	s16 =	simm.s32 $0x0;
	s6 =	smul.u32 $0x4E20, s1  }
0x5: {  	[smem:$0x7FF] =	sst s2;
	s7 =	sand.u32 $0x1, s3;
	s10 =	smul.u32 $0x2710, s1  }
0x6: {  	s3 =	sadd.s32 $0x7800, s5;
	s4 =	sadd.s32 $0x2800, s5;
	s8 =	smul.u32 $0x2710, s7  }
0x7: {  	s12 =	sadd.s32 $0xC800, s5;
	s9 =	ssub.s32 $0x2, s7;
	s7 =	smul.u32 $0x1388, s7  }
0x8: {  	_ =	strace $0x80000047;
	s11 =	sshrl.u32 s9, $0x1;
	s6 =	sadd.s32 s6, s5  }
0x9: {  	s28 =	ssub.s32 s9, s11;
	s8 =	sadd.s32 s8, s6;
	s7 =	sadd.s32 s7, s10  }
0xa: {  	s11 =	simm.s32 $0x3E8;
	s5 =	smax.u32 s28, $0x1;
	s6 =	sadd.s32 $0x6E400, s8  }
0xb: {  	s29 =	sadd.s32 $0x75300, s7;
	s10 =	sadd.s32 $0x27100, s7;
	s7 =	sadd.s32 $0x20200, s8  }
0xc: {  	s30 =	sshrl.u32 s29, $0x3;
	s31 =	sshrl.u32 s10, $0x3;
	s10 =	simm.s32 $0x3  }
0xd: {  	s8 =	sadd.s32 s30, s12;
	s9 =	sadd.s32 s31, s12;
	s12 =	simm.s32 $0x7D0  }
.LBB2_1:
0xe: {  	s17 =	sadd.s32 $0x0, s9  }
0xf: {  	[tilespmem:s2], [sflag:$0x3] =	stream.linear.gather [hbm4b:s17+s2], $0x3E8, $0x38;
	[tilespmem:$0x84D0] =	vst v63  }
0x10: {  	_ =	swait.ge [sflag:s10], $0x3E8  }
0x11: {  	[sflag:s10] =	ssyncset.done $0x0  }
0x12: {  	s31 =	sadd.s32 $0x0, s8;
	[sflag:s10] =	ssyncadd.s32 $0xFFFFFC18  }
0x13: {  	[tilespmem:s11], [sflag:$0x3] =	stream.linear.gather [hbm4b:s31+s2], $0x3E8, $0x38;
	[tilespmem:$0x84D0] =	vst v63  }
0x14: {  	_ =	swait.ge [sflag:s10], $0x3E8  }
0x15: {  	[sflag:s10] =	ssyncset.done $0x0  }
0x16: {  	[sflag:s10] =	ssyncadd.s32 $0xFFFFFC18  }
0x17: {  	[tilespmem:s12], [sflag:$0x1] =	stream.indirect.gather [hbm4b:s3+s11], $0x10, s2, s11, $0xb8;
	[tilespmem:$0x84D0] =	vst v63  }
0x18: {  	_ = 	snop  }
0x19: {  	[tilespmem:s13], [sflag:$0x2] =	stream.indirect.gather [hbm4b:s4+s11], $0x10, s11, s11, $0xb8;
	[tilespmem:$0x84D0] =	vst v63  }
0x1a: {  	_ =	swait.ge [sflag:s14], $0x3E80  }
0x1b: {  	[sflag:s14] =	ssyncset.done $0x0  }
0x1c: {  	[sflag:s14] =	ssyncadd.s32 $0xFFFFC180  }
0x1d: {  	_ =	swait.ge [sflag:s15], $0x3E80  }
0x1e: {  	[sflag:s15] =	ssyncset.done $0x0  }
0x1f: {  	[sflag:s15] =	ssyncadd.s32 $0xFFFFC180  }
0x20: {  	[hbm4b:s7+s2] =	stream.linear.scatter [tilespmem:s12], [sflag:$0x3], $0x3E80, $0x38;
	[tilespmem:$0x84D0] =	vst v63  }
0x21: {  	_ =	swait.ge [sflag:s10], $0x3E80  }
0x22: {  	[sflag:s10] =	ssyncset.done $0x0  }
0x23: {  	[sflag:s10] =	ssyncadd.s32 $0xFFFFC180  }
0x24: {  	[hbm4b:s6+s2] =	stream.linear.scatter [tilespmem:s13], [sflag:$0x3], $0x3E80, $0x38;
	[tilespmem:$0x84D0] =	vst v63  }
0x25: {  	s19 =	simm.s32 $0x7D;
	s20 =	simm.s32 $0xFA;
	_ =	swait.ge [sflag:s10], $0x3E80  }
0x26: {  	s18 =	sadd.s32 $0x7D0, s7;
	s17 =	sadd.s32 $0x7D0, s6;
	[sflag:s10] =	ssyncset.done $0x0  }
.LBB2_2:
0x27: {  	s21 =	sadd.s32 s19, s9  }
0x28: {  	[sflag:s10] =	ssyncadd.s32 $0xFFFFC180;
	s22 =	smov.u32 s20;
	s23 =	sadd.s32 $0x7D, s20  }
0x29: {  	[tilespmem:s2], [sflag:$0x3] =	stream.linear.gather [hbm4b:s21+s2], $0x3E8, $0x38;
	[tilespmem:$0x84D0] =	vst v63  }
0x2a: {  	p0 =	sne.s32 s20, $0x1F4;
	_ =	swait.ge [sflag:s10], $0x3E8  }
0x2b: {  	[sflag:s10] =	ssyncset.done $0x0  }
0x2c: {  	s20 =	sadd.s32 s19, s8;
	s19 =	smov.u32 s22;
	[sflag:s10] =	ssyncadd.s32 $0xFFFFFC18  }
0x2d: {  	[tilespmem:s11], [sflag:$0x3] =	stream.linear.gather [hbm4b:s20+s2], $0x3E8, $0x38;
	[tilespmem:$0x84D0] =	vst v63  }
0x2e: {  	_ =	swait.ge [sflag:s10], $0x3E8  }
0x2f: {  	[sflag:s10] =	ssyncset.done $0x0  }
0x30: {  	[sflag:s10] =	ssyncadd.s32 $0xFFFFFC18  }
0x31: {  	[tilespmem:s12], [sflag:$0x1] =	stream.indirect.gather [hbm4b:s3+s11], $0x10, s2, s11, $0xb8;
	[tilespmem:$0x84D0] =	vst v63  }
0x32: {  	_ = 	snop  }
0x33: {  	[tilespmem:s13], [sflag:$0x2] =	stream.indirect.gather [hbm4b:s4+s11], $0x10, s11, s11, $0xb8;
	[tilespmem:$0x84D0] =	vst v63  }
0x34: {  	_ =	swait.ge [sflag:s14], $0x3E80  }
0x35: {  	[sflag:s14] =	ssyncset.done $0x0  }
0x36: {  	[sflag:s14] =	ssyncadd.s32 $0xFFFFC180  }
0x37: {  	_ =	swait.ge [sflag:s15], $0x3E80  }
0x38: {  	[sflag:s15] =	ssyncset.done $0x0  }
0x39: {  	[sflag:s15] =	ssyncadd.s32 $0xFFFFC180  }
0x3a: {  	[hbm4b:s18+s2] =	stream.linear.scatter [tilespmem:s12], [sflag:$0x3], $0x3E80, $0x38;
	[tilespmem:$0x84D0] =	vst v63  }
0x3b: {  	_ =	swait.ge [sflag:s10], $0x3E80  }
.Ltmp0:
0x3c: {  	[sflag:s10] =	ssyncset.done $0x0;
	(pc) =	sbr.rel @p0 .LBB2_2-.Ltmp0, $4  }
0x3d: {  	[sflag:s10] =	ssyncadd.s32 $0xFFFFC180  }
0x3e: {  	[hbm4b:s17+s2] =	stream.linear.scatter [tilespmem:s13], [sflag:$0x3], $0x3E80, $0x38;
	[tilespmem:$0x84D0] =	vst v63  }
0x3f: {  	s20 =	smov.u32 s23;
	_ =	swait.ge [sflag:s10], $0x3E80  }
0x40: {  	s18 =	sadd.s32 $0x7D0, s18;
	s17 =	sadd.s32 $0x7D0, s17;
	[sflag:s10] =	ssyncset.done $0x0  }
0x41: {  	s20 =	sadd.s32 s19, s9;
	[sflag:s10] =	ssyncadd.s32 $0xFFFFC180  }
0x42: {  	[tilespmem:s2], [sflag:$0x3] =	stream.linear.gather [hbm4b:s20+s2], $0x3E8, $0x38;
	[tilespmem:$0x84D0] =	vst v63  }
0x43: {  	_ =	swait.ge [sflag:s10], $0x3E8  }
0x44: {  	[sflag:s10] =	ssyncset.done $0x0  }
0x45: {  	s31 =	sadd.s32 s19, s8;
	[sflag:s10] =	ssyncadd.s32 $0xFFFFFC18  }
0x46: {  	[tilespmem:s11], [sflag:$0x3] =	stream.linear.gather [hbm4b:s31+s2], $0x3E8, $0x38;
	[tilespmem:$0x84D0] =	vst v63  }
0x47: {  	_ =	swait.ge [sflag:s10], $0x3E8  }
0x48: {  	[sflag:s10] =	ssyncset.done $0x0  }
0x49: {  	[sflag:s10] =	ssyncadd.s32 $0xFFFFFC18  }
0x4a: {  	[tilespmem:s12], [sflag:$0x1] =	stream.indirect.gather [hbm4b:s3+s11], $0x10, s2, s11, $0xb8;
	[tilespmem:$0x84D0] =	vst v63  }
0x4b: {  	_ = 	snop  }
0x4c: {  	[tilespmem:s13], [sflag:$0x2] =	stream.indirect.gather [hbm4b:s4+s11], $0x10, s11, s11, $0xb8;
	[tilespmem:$0x84D0] =	vst v63  }
0x4d: {  	_ =	swait.ge [sflag:s14], $0x3E80  }
0x4e: {  	[sflag:s14] =	ssyncset.done $0x0  }
0x4f: {  	[sflag:s14] =	ssyncadd.s32 $0xFFFFC180  }
0x50: {  	_ =	swait.ge [sflag:s15], $0x3E80  }
0x51: {  	[sflag:s15] =	ssyncset.done $0x0  }
0x52: {  	[sflag:s15] =	ssyncadd.s32 $0xFFFFC180  }
0x53: {  	[hbm4b:s18+s2] =	stream.linear.scatter [tilespmem:s12], [sflag:$0x3], $0x3E80, $0x38;
	[tilespmem:$0x84D0] =	vst v63  }
0x54: {  	s16 =	sadd.s32 $0x1, s16;
	_ =	swait.ge [sflag:s10], $0x3E80  }
0x55: {  	p0 =	sne.s32 s16, s5;
	[sflag:s10] =	ssyncset.done $0x0  }
.Ltmp1:
0x56: {  	[sflag:s10] =	ssyncadd.s32 $0xFFFFC180;
	(pc) =	sbr.rel @p0 .LBB2_1-.Ltmp1, $4  }
0x57: {  	[hbm4b:s17+s2] =	stream.linear.scatter [tilespmem:s13], [sflag:$0x3], $0x3E80, $0x38;
	[tilespmem:$0x84D0] =	vst v63  }
0x58: {  	_ =	swait.ge [sflag:s10], $0x3E80  }
0x59: {  	[sflag:s10] =	ssyncset.done $0x0  }
0x5a: {  	[sflag:s10] =	ssyncadd.s32 $0xFFFFC180  }
0x5b: {  	_ =	sfence.sel $0x180000  }
0x5c: {  	[bflag:$0x0] =	sbarrier.arrive $0xFFFF  }
0x5d: {  	p0 =	sne.s32 s1, $0x0;
	_ =	strace $0x90000047  }
0x5e: {  	s0 =	sadd.s32 @!p0 $0x100000, s0;
	[bflag:$0x2] =	sbarrier.arrive $0xFFFF  }
0x5f: {  	[sflag:s0] =	ssyncadd.tile.s32 @!p0 $0x1;
	_ =	shalt  }
.Lfunc_end2:
_tile_overlayer_lowered:
.L_overlay_start_2:
0x60: {  	(tag) =	ssettag $0x2  }
0x61: {  	s0 =	rddreg [dreg:$0x0];
	s2 =	stileid.u32  }
0x62: {  	s1 =	rddreg [dreg:$0x1];
	p0 =	sne.s32 s2, $0x0  }
0x63: {  	s3 =	rddreg [dreg:$0x2];
	[bflag:$0x3] =	sbarrier.arrive $0xFFFF;
	s2 =	simm.s32 @!p0 $0x1C03  }
0x64: {  	[timem:s3], [sflag:s2] =	dma.local @!p0 [hbm:s0], s1  }
0x65: {  	s0 =	simm.s32 @!p0 $0x3  }
0x66: {  	_ =	swait.ge @!p0 [sflag:s0], s1  }
0x67: {  	s1 =	ssub.s32 @!p0 $0x0, s1;
	[sflag:s0] =	ssyncset.done @!p0 $0x0  }
0x68: {  	[sflag:s0] =	ssyncadd.s32 @!p0 s1  }
0x69: {  	[bflag:$0x3] =	sbarrier.arrive $0xFFFF  }
0x6a: {  	_ =	shalt  }

// kernel: kernel.8.cloned.1.call-start
scs
__scs_entry_jumppad:
0x0: {  	(pc) =	sbr.rel $0x88, $3  }
0x1: {  	(tag) =	ssettag $0x0;
	lr =	simm.s32 $0x1  }
0x2: {  	[smem:$0x3F96] =	sst lr;
	_ =	strace $0xD0000000  }
0x3: {  	_ = 	snop  }
0x4: {  	_ = 	snop  }
0x5: {  	_ = 	snop  }
0x6: {  	_ = 	snop  }
0x7: {  	_ = 	snop  }
__scs_overlays_trampoline_lowered:
0x8: {  	[smem:$0x3FA5] =	sst s0  }
0x9: {  	[smem:$0x3FA6] =	sst s1  }
0xa: {  	[smem:$0x3FA7] =	sst s2  }
0xb: {  	[smem:$0x3FA8] =	sst s3  }
0xc: {  	[smem:$0x3FA9] =	sst s4  }
0xd: {  	[smem:$0x3FAA] =	sst s5  }
0xe: {  	[smem:$0x3FAB] =	sst s6  }
0xf: {  	[smem:$0x3FAC] =	sst s7  }
0x10: {  	[smem:$0x3FAD] =	sst s8  }
0x11: {  	[smem:$0x3FAE] =	sst s9;
	s0 =	simm.s32 @!p0 $0x0  }
0x12: {  	s1 =	sld [smem:$0x3F94];
	s0 =	simm.s32 @p0 $0x1  }
0x13: {  	[smem:$0x3FAF] =	sst s0;
	s0 =	simm.s32 @!p1 $0x0  }
0x14: {  	s2 =	sld [smem:$0x3F93];
	s0 =	simm.s32 @p1 $0x1  }
0x15: {  	[smem:$0x3FB0] =	sst s0;
	s0 =	simm.s32 @!p2 $0x0  }
0x16: {  	s3 =	sld [smem:$0x3FDB];
	s0 =	simm.s32 @p2 $0x1  }
0x17: {  	s4 =	simm.s32 $0x1BF5;
	[smem:$0x3FB2] =	sst s0  }
0x18: {  	s0 =	sld [smem:$0x3F95];
	_ =	swait.ge [sflag:s4], $0x0  }
0x19: {  	s7 =	sld [smem:$0x3F96]  }
0x1a: {  	s8 =	sadd.s32 $0xFFFFE003, lr  }
0x1b: {  	s9 =	sadd.s32 $0xFFFFFEF7, lr;
	s5 =	simm.s32 $0xFFFFFFFF;
	p2 =	slt.u32 s8, $0xFFFFF086  }
0x1c: {  	p1 =	slt.u32 s9, $0xF7A;
	s5 =	simm.s32 @!p2 $0x0  }
0x1d: {  	s5 =	simm.s32 @p1 $0x1;
	p0 =	seq.s32 s7, s2  }
0x1e: {  	s7 =	smul.u32 @!p0 $0xF7A, s2;
	p2 =	seq.s32 @!p0 s5, $0x0  }
0x1f: {  	s9 =	smul.u32 $0xF7A, s1;
	s8 =	simm.s32 @!p0 $0x1BF5;
	p2 =	por !p2, p0  }
0x20: {  	[sflag:s8] =	ssyncset.s32 @!p0 $0xFFFFF086;
	s6 =	sadd.s32 @!p0 s3, s7;
	s7 =	simm.s32 @!p0 $0x108  }
0x21: {  	s3 =	sadd.s32 s3, s9;
	s6 =	sadd.s32 @!p0 $0x88, s6;
	s7 =	simm.s32 @p2 $0x1082  }
0x22: {  	[simem:s7], [sflag:s8] =	dma.local @!p0 [hbm:s6], $0xF7A  }
0x23: {  	s9 =	sor.u32 $0xD0000000, s2;
	s6 =	simm.s32 $0x108;
	_ =	swait.ge @!p0 [sflag:s8], $0x0  }
0x24: {  	s3 =	sadd.s32 $0x88, s3;
	s6 =	simm.s32 @!p1 $0x1082;
	[sflag:s4] =	ssyncset.s32 $0xFFFFF086  }
0x25: {  	[simem:s6], [sflag:s4] =	dma.local [hbm:s3], $0xF7A  }
0x26: {  	[smem:$0x3F96] =	sst s1;
	(tag) =	ssettag s2;
	_ =	strace s9  }
0x27: {  	s1 =	sld [smem:$0x3FA6]  }
0x28: {  	s2 =	sld [smem:$0x3FA7]  }
0x29: {  	s4 =	sld [smem:$0x3FA9]  }
0x2a: {  	p0 =	seq.s32 s5, $0x0;
	s5 =	sld [smem:$0x3FAA]  }
0x2b: {  	s6 =	sld [smem:$0x3FAB]  }
0x2c: {  	s7 =	sld [smem:$0x3FAC]  }
0x2d: {  	s3 =	simm.s32 $0x108;
	s8 =	sld [smem:$0x3FAD]  }
0x2e: {  	s3 =	simm.s32 @!p0 $0x1082;
	s9 =	sld [smem:$0x3FAE]  }
0x2f: {  	lr =	sadd.s32 s0, s3;
	s0 =	sld [smem:$0x3FA5]  }
0x30: {  	s3 =	sld [smem:$0x3FA8]  }
0x31: {  	[smem:$0x3FB1] =	sst s10  }
0x32: {  	s10 =	sld [smem:$0x3FAF];
	_ =	sdelay $0x3  }
0x33: {  	p0 =	seq.s32 s10, $0x1;
	s10 =	sld [smem:$0x3FB1];
	_ =	sdelay $0x3  }
0x34: {  	[smem:$0x3FB1] =	sst s10  }
0x35: {  	s10 =	sld [smem:$0x3FB0];
	_ =	sdelay $0x3  }
0x36: {  	p1 =	seq.s32 s10, $0x1;
	s10 =	sld [smem:$0x3FB1];
	_ =	sdelay $0x3  }
0x37: {  	[smem:$0x3FB1] =	sst s10  }
0x38: {  	s10 =	sld [smem:$0x3FB2]  }
0x39: {  	_ = 	snop;
	(pc) =	sbr.ind lr, $3  }
0x3a: {  	_ = 	snop  }
0x3b: {  	_ = 	snop  }
0x3c: {  	p2 =	seq.s32 s10, $0x1;
	s10 =	sld [smem:$0x3FB1]  }
0x3d: {  	_ =	shalt  }
0x3e: {  	_ =	shalt  }
0x3f: {  	_ =	shalt  }
0x40: {  	_ =	shalt  }
0x41: {  	_ =	shalt  }
0x42: {  	_ =	shalt  }
0x43: {  	_ =	shalt  }
0x44: {  	_ =	shalt  }
0x45: {  	_ =	shalt  }
0x46: {  	_ =	shalt  }
0x47: {  	_ =	shalt  }
0x48: {  	_ =	shalt  }
0x49: {  	_ =	shalt  }
0x4a: {  	_ =	shalt  }
0x4b: {  	_ =	shalt  }
0x4c: {  	_ =	shalt  }
0x4d: {  	_ =	shalt  }
0x4e: {  	_ =	shalt  }
0x4f: {  	_ =	shalt  }
0x50: {  	_ =	shalt  }
0x51: {  	_ =	shalt  }
0x52: {  	_ =	shalt  }
0x53: {  	_ =	shalt  }
0x54: {  	_ =	shalt  }
0x55: {  	_ =	shalt  }
0x56: {  	_ =	shalt  }
0x57: {  	_ =	shalt  }
0x58: {  	_ =	shalt  }
0x59: {  	_ =	shalt  }
0x5a: {  	_ =	shalt  }
0x5b: {  	_ =	shalt  }
0x5c: {  	_ =	shalt  }
0x5d: {  	_ =	shalt  }
0x5e: {  	_ =	shalt  }
0x5f: {  	_ =	shalt  }
0x60: {  	_ =	shalt  }
0x61: {  	_ =	shalt  }
0x62: {  	_ =	shalt  }
0x63: {  	_ =	shalt  }
0x64: {  	_ =	shalt  }
0x65: {  	_ =	shalt  }
0x66: {  	_ =	shalt  }
0x67: {  	_ =	shalt  }
0x68: {  	_ =	shalt  }
0x69: {  	_ =	shalt  }
0x6a: {  	_ =	shalt  }
0x6b: {  	_ =	shalt  }
0x6c: {  	_ =	shalt  }
0x6d: {  	_ =	shalt  }
0x6e: {  	_ =	shalt  }
0x6f: {  	_ =	shalt  }
0x70: {  	_ =	shalt  }
0x71: {  	_ =	shalt  }
0x72: {  	_ =	shalt  }
0x73: {  	_ =	shalt  }
0x74: {  	_ =	shalt  }
0x75: {  	_ =	shalt  }
0x76: {  	_ =	shalt  }
0x77: {  	_ =	shalt  }
0x78: {  	_ =	shalt  }
0x79: {  	_ =	shalt  }
0x7a: {  	_ =	shalt  }
0x7b: {  	_ =	shalt  }
0x7c: {  	_ =	shalt  }
0x7d: {  	_ =	shalt  }
0x7e: {  	_ =	shalt  }
0x7f: {  	_ =	shalt  }
0x80: {  	_ =	shalt  }
0x81: {  	_ =	shalt  }
0x82: {  	_ =	shalt  }
0x83: {  	_ =	shalt  }
0x84: {  	_ =	shalt  }
0x85: {  	_ =	shalt  }
0x86: {  	_ =	shalt  }
0x87: {  	_ =	shalt  }
.Lfunc_end0:
.L_simem_size_0:
called_computation_lowered:
.L_overlay_start_0:
0x88: {  	s2 =	sld [smem:$0x3FD9]  }
0x89: {  	s3 =	sld [smem:$0x3FFE];
	_ =	sdelay $0x1  }
0x8a: {  	s1 =	srdreg.scid  }
0x8b: {  	s0 =	sand.u32 $0x1, s1  }
0x8c: {  	s17 =	sshll.u32 s0, $0xA;
	s2 =	sadd.s32 s3, s2  }
0x8d: {  	s2 =	sadd.s32 s2, s17  }
0x8e: {  	[smem:$0x3FBD] =	sst s2  }
0x8f: {  	_ = 	snop  }
0x90: {  	s18 =	sld [smem:$0x3FD0];
	(tm) =	ssettm $0x1  }
0x91: {  	s19 =	sld [smem:$0x3FFB];
	_ =	sdelay $0x3  }
0x92: {  	_ =	strace s19  }
0x93: {  	s2 =	sld [smem:$0x3FFC];
	_ =	sdelay $0x3  }
0x94: {  	_ =	strace s2  }
0x95: {  	s2 =	sld [smem:$0x3FFD];
	_ =	sdelay $0x3  }
0x96: {  	_ =	strace s2  }
0x97: {  	_ =	strace $0x8FFFFFFF  }
0x98: {  	s20 =	sld [smem:$0x3FDB];
	_ =	sdelay $0x1  }
0x99: {  	s4 =	simm.s32 $_scs_section_size  }
0x9a: {  	s5 =	simm.s32 $_size__tile_overlayer_lowered;
	s6 =	simm.s32 $_tile_overlayer_lowered  }
0x9b: {  	s7 =	simm.s32 $0x1BFF;
	s21 =	sshll.u32 s6, $0x1;
	s4 =	sadd.s32 s4, s20  }
0x9c: {  	s22 =	simm.s32 $0x0;
	s5 =	sshll.u32 s5, $0x1;
	s6 =	sadd.s32 s21, s4  }
0x9d: {  	[timem:s22], [sflag:s7] =	dma.local [hbm:s6], s5  }
0x9e: {  	_ =	swait.ge [sflag:s7], s5  }
0x9f: {  	s5 =	ssub.s32 $0x0, s5;
	[sflag:s7] =	ssyncset.done $0x0  }
0xa0: {  	[sflag:s7] =	ssyncadd.s32 s5;
	_ =	sdelay $0x1  }
0xa1: {  	s23 =	simm.s32 $0x1B8B  }
0xa2: {  	_ =	swait.ge [sflag:s23], $0x1  }
0xa3: {  	[sflag:s23] =	ssyncset.done $0x0  }
0xa4: {  	[sflag:s23] =	ssyncadd.s32 $0xFFFFFFFF  }
0xa5: {  	s5 =	sld [smem:$0x0]  }
0xa6: {  	s6 =	sand.u32 $0xFFFFFFFE, s1  }
0xa7: {  	p0 =	sne.s32 s1, s6  }
0xa8: {  	s6 =	sshll.u32 @p0 s6, $0xE  }
0xa9: {  	s6 =	sadd.s32 @p0 $0x11B8D, s6;
	s7 =	sshll.u32 @p0 s5, $0x11  }
0xaa: {  	s6 =	sor.u32 @p0 s7, s6  }
0xab: {  	[sflag:s6] =	ssyncadd.remote.s32 @p0 $0x1;
	_ =	sdelay $0x1  }
0xac: {  	s6 =	simm.s32 @p0 $0x1B8D  }
0xad: {  	_ =	swait.eq @p0 [sflag:s6], $0x1  }
0xae: {  	[sflag:s6] =	ssyncadd.s32 @p0 $0xFFFFFFFF  }
0xaf: {  	s7 =	sshll.u32 @!p0 s1, $0xE  }
0xb0: {  	s7 =	sor.u32 @!p0 $0x4000, s7;
	s6 =	simm.s32 @!p0 $0x1B8D  }
0xb1: {  	s5 =	sshll.u32 @!p0 s5, $0x11;
	s7 =	sadd.s32 @!p0 $0x11B8D, s7;
	_ =	swait.eq @!p0 [sflag:s6], $0x1  }
0xb2: {  	s5 =	sor.u32 @!p0 s5, s7;
	[sflag:s6] =	ssyncadd.s32 @!p0 $0xFFFFFFFF  }
0xb3: {  	s25 =	simm.s32 $0x1B8E;
	s24 =	sld [smem:$0x3FFE];
	[sflag:s5] =	ssyncadd.remote.s32 @!p0 $0x1  }
0xb4: {  	s26 =	simm.s32 $execute0_lowered;
	[smem:$0x3FD2] =	sst s25  }
0xb5: {  	s6 =	sshll.u32 s26, $0x1;
	_ =	strace $0x80000049;
	[dreg:$0x1] =	wrdreg $0xFFFFFFFF  }
0xb6: {  	s28 =	simm.s32 $_size_execute0_lowered;
	s4 =	sadd.s32 s4, s6;
	[dreg:$0x0] =	wrdreg $0x0  }
0xb7: {  	s6 =	sshll.u32 s28, $0x1;
	[dreg:$0x2] =	wrdreg s4  }
0xb8: {  	[dreg:$0x3] =	wrdreg s6  }
0xb9: {  	[dreg:$0x4] =	wrdreg $0xC0  }
0xba: {  	_ =	task [dreg:s22], $0x5FFFF  }
0xbb: {  	[dreg:$0x1] =	wrdreg $0xFFFFFFFF  }
0xbc: {  	[dreg:$0x0] =	wrdreg $0x60  }
0xbd: {  	[dreg:$0x2] =	wrdreg s24  }
0xbe: {  	[dreg:$0x3] =	wrdreg s18  }
0xbf: {  	[dreg:$0x4] =	wrdreg $0x9  }
0xc0: {  	_ =	task.clear_ibuf [dreg:s22], $0x5FFFF;
	_ =	strace $0x90000049  }
0xc1: {  	s29 =	simm.s32 $0x9;
	_ =	strace $0x8000004B  }
0xc2: {  	_ =	swait.ge [sflag:s29], $0x1  }
0xc3: {  	[sflag:s29] =	ssyncadd.s32 $0xFFFFFFFF  }
0xc4: {  	_ =	strace $0x9000004B  }
0xc5: {  	_ =	sfence  }
0xc6: {  	s30 =	sld [smem:$0x0];
	_ =	sdelay $0x2  }
0xc7: {  	s31 =	sshll.u32 s1, $0xD;
	s1 =	sshrl.u32 s1, $0x2  }
0xc8: {  	s4 =	sand.u32 $0x4000, s31;
	s1 =	sadd.s32 s1, s30  }
0xc9: {  	s0 =	sor.u32 s4, s0;
	s1 =	sshll.u32 s1, $0x11  }
0xca: {  	s0 =	sor.u32 s1, s0  }
0xcb: {  	s0 =	sadd.s32 $0x8F2B, s0  }
0xcc: {  	[sflag:s0] =	ssyncadd.remote.s32 $0x1  }
0xcd: {  	_ =	sfence.sel $0xFFFF  }
0xce: {  	[dreg:$0x0] =	wrdreg $0xFFFFFFFF;
	(pc) =	sbr.abs _section_cstart, $3  }
0xcf: {  	[dreg:$0x1] =	wrdreg $0xFFFFFFFF  }
0xd0: {  	_ =	task.clear_ibuf [dreg:s22], $0x2FFFF;
	_ =	strace $0x9FFFFFFF  }
0xd1: {  	(tm) =	ssettm $0x7FFFFFFF  }
tec
execute0_lowered:
.L_overlay_start_1:
0x0: {  	(tag) =	ssettag $0x1  }
0x1: {  	s5 =	rddreg [dreg:$0x0]  }
0x2: {  	s7 =	rddreg [dreg:$0x1]  }
0x3: {  	s0 =	rddreg [dreg:$0x2];
	s2 =	simm.s32 $0x0;
	s1 =	stileid.u32  }
0x4: {  	s3 =	srdreg.scid;
	s15 =	simm.s32 $0x2;
	s16 =	simm.s32 $0x0  }
0x5: {  	[smem:$0x7FF] =	sst s2;
	s8 =	smul.u32 $0x4E20, s1;
	s6 =	sand.u32 $0x1, s3  }
0x6: {  	s3 =	sadd.s32 $0x7800, s5;
	s11 =	smul.u32 $0x2710, s1;
	s4 =	sadd.s32 $0x2800, s5  }
0x7: {  	s13 =	sadd.s32 $0xC800, s5;
	s9 =	smul.u32 $0x2710, s6;
	s10 =	ssub.s32 $0x2, s6  }
0x8: {  	_ =	strace $0x8000004A;
	s6 =	smul.u32 $0x1388, s6;
	s12 =	sshrl.u32 s10, $0x1  }
0x9: {  	s14 =	sadd.s32 s8, s5;
	s7 =	sadd.s32 s8, s7;
	s26 =	ssub.s32 s10, s12  }
0xa: {  	s28 =	sadd.s32 s9, s14;
	s11 =	sadd.s32 s6, s11;
	s7 =	sadd.s32 s9, s7  }
0xb: {  	s10 =	simm.s32 $0x3;
	s12 =	simm.s32 $0x7D0;
	s14 =	simm.s32 $0x1  }
0xc: {  	s5 =	smax.u32 s26, $0x1;
	s6 =	sadd.s32 $0xBC600, s28;
	s29 =	sadd.s32 $0x4E200, s11  }
0xd: {  	s30 =	sshrl.u32 s11, $0x3;
	s11 =	simm.s32 $0x3E8;
	s31 =	sshrl.u32 s29, $0x3  }
0xe: {  	s8 =	sadd.s32 s30, s13;
	s9 =	sadd.s32 s31, s13;
	s13 =	simm.s32 $0x4650  }
.LBB2_1:
0xf: {  	s17 =	sadd.s32 $0x0, s8  }
0x10: {  	[tilespmem:s2], [sflag:$0x3] =	stream.linear.gather [hbm4b:s17+s2], $0x3E8, $0x38;
	[tilespmem:$0x84D0] =	vst v63  }
0x11: {  	_ =	swait.ge [sflag:s10], $0x3E8  }
0x12: {  	[sflag:s10] =	ssyncset.done $0x0  }
0x13: {  	s31 =	sadd.s32 $0x0, s9;
	[sflag:s10] =	ssyncadd.s32 $0xFFFFFC18  }
0x14: {  	[tilespmem:s11], [sflag:$0x3] =	stream.linear.gather [hbm4b:s31+s2], $0x3E8, $0x38;
	[tilespmem:$0x84D0] =	vst v63  }
0x15: {  	_ =	swait.ge [sflag:s10], $0x3E8  }
0x16: {  	[sflag:s10] =	ssyncset.done $0x0  }
0x17: {  	[sflag:s10] =	ssyncadd.s32 $0xFFFFFC18  }
0x18: {  	[tilespmem:s12], [sflag:$0x1] =	stream.indirect.gather [hbm4b:s3+s11], $0x10, s2, s11, $0xb8;
	[tilespmem:$0x84D0] =	vst v63  }
0x19: {  	_ = 	snop  }
0x1a: {  	[tilespmem:s13], [sflag:$0x2] =	stream.indirect.gather [hbm4b:s4+s11], $0x10, s11, s11, $0xb8;
	[tilespmem:$0x84D0] =	vst v63  }
0x1b: {  	_ =	swait.ge [sflag:s14], $0x3E80  }
0x1c: {  	[sflag:s14] =	ssyncset.done $0x0  }
0x1d: {  	[sflag:s14] =	ssyncadd.s32 $0xFFFFC180  }
0x1e: {  	_ =	swait.ge [sflag:s15], $0x3E80  }
0x1f: {  	[sflag:s15] =	ssyncset.done $0x0  }
0x20: {  	[sflag:s15] =	ssyncadd.s32 $0xFFFFC180  }
0x21: {  	[hbm4b:s7+s2] =	stream.linear.scatter [tilespmem:s12], [sflag:$0x3], $0x3E80, $0x38;
	[tilespmem:$0x84D0] =	vst v63  }
0x22: {  	_ =	swait.ge [sflag:s10], $0x3E80  }
0x23: {  	[sflag:s10] =	ssyncset.done $0x0  }
0x24: {  	[sflag:s10] =	ssyncadd.s32 $0xFFFFC180  }
0x25: {  	[hbm4b:s6+s2] =	stream.linear.scatter [tilespmem:s13], [sflag:$0x3], $0x3E80, $0x38;
	[tilespmem:$0x84D0] =	vst v63  }
0x26: {  	s19 =	simm.s32 $0x7D;
	s20 =	simm.s32 $0xFA;
	_ =	swait.ge [sflag:s10], $0x3E80  }
0x27: {  	s18 =	sadd.s32 $0x7D0, s7;
	s17 =	sadd.s32 $0x7D0, s6;
	[sflag:s10] =	ssyncset.done $0x0  }
.LBB2_2:
0x28: {  	s21 =	sadd.s32 s19, s8  }
0x29: {  	[sflag:s10] =	ssyncadd.s32 $0xFFFFC180;
	s22 =	smov.u32 s20;
	s23 =	sadd.s32 $0x7D, s20  }
0x2a: {  	[tilespmem:s2], [sflag:$0x3] =	stream.linear.gather [hbm4b:s21+s2], $0x3E8, $0x38;
	[tilespmem:$0x84D0] =	vst v63  }
0x2b: {  	p0 =	sne.s32 s20, $0x1F4;
	_ =	swait.ge [sflag:s10], $0x3E8  }
0x2c: {  	[sflag:s10] =	ssyncset.done $0x0  }
0x2d: {  	s20 =	sadd.s32 s19, s9;
	s19 =	smov.u32 s22;
	[sflag:s10] =	ssyncadd.s32 $0xFFFFFC18  }
0x2e: {  	[tilespmem:s11], [sflag:$0x3] =	stream.linear.gather [hbm4b:s20+s2], $0x3E8, $0x38;
	[tilespmem:$0x84D0] =	vst v63  }
0x2f: {  	_ =	swait.ge [sflag:s10], $0x3E8  }
0x30: {  	[sflag:s10] =	ssyncset.done $0x0  }
0x31: {  	[sflag:s10] =	ssyncadd.s32 $0xFFFFFC18  }
0x32: {  	[tilespmem:s12], [sflag:$0x1] =	stream.indirect.gather [hbm4b:s3+s11], $0x10, s2, s11, $0xb8;
	[tilespmem:$0x84D0] =	vst v63  }
0x33: {  	_ = 	snop  }
0x34: {  	[tilespmem:s13], [sflag:$0x2] =	stream.indirect.gather [hbm4b:s4+s11], $0x10, s11, s11, $0xb8;
	[tilespmem:$0x84D0] =	vst v63  }
0x35: {  	_ =	swait.ge [sflag:s14], $0x3E80  }
0x36: {  	[sflag:s14] =	ssyncset.done $0x0  }
0x37: {  	[sflag:s14] =	ssyncadd.s32 $0xFFFFC180  }
0x38: {  	_ =	swait.ge [sflag:s15], $0x3E80  }
0x39: {  	[sflag:s15] =	ssyncset.done $0x0  }
0x3a: {  	[sflag:s15] =	ssyncadd.s32 $0xFFFFC180  }
0x3b: {  	[hbm4b:s18+s2] =	stream.linear.scatter [tilespmem:s12], [sflag:$0x3], $0x3E80, $0x38;
	[tilespmem:$0x84D0] =	vst v63  }
0x3c: {  	_ =	swait.ge [sflag:s10], $0x3E80  }
.Ltmp0:
0x3d: {  	[sflag:s10] =	ssyncset.done $0x0;
	(pc) =	sbr.rel @p0 .LBB2_2-.Ltmp0, $4  }
0x3e: {  	[sflag:s10] =	ssyncadd.s32 $0xFFFFC180  }
0x3f: {  	[hbm4b:s17+s2] =	stream.linear.scatter [tilespmem:s13], [sflag:$0x3], $0x3E80, $0x38;
	[tilespmem:$0x84D0] =	vst v63  }
0x40: {  	s20 =	smov.u32 s23;
	_ =	swait.ge [sflag:s10], $0x3E80  }
0x41: {  	s18 =	sadd.s32 $0x7D0, s18;
	s17 =	sadd.s32 $0x7D0, s17;
	[sflag:s10] =	ssyncset.done $0x0  }
0x42: {  	s20 =	sadd.s32 s19, s8;
	[sflag:s10] =	ssyncadd.s32 $0xFFFFC180  }
0x43: {  	[tilespmem:s2], [sflag:$0x3] =	stream.linear.gather [hbm4b:s20+s2], $0x3E8, $0x38;
	[tilespmem:$0x84D0] =	vst v63  }
0x44: {  	_ =	swait.ge [sflag:s10], $0x3E8  }
0x45: {  	[sflag:s10] =	ssyncset.done $0x0  }
0x46: {  	s31 =	sadd.s32 s19, s9;
	[sflag:s10] =	ssyncadd.s32 $0xFFFFFC18  }
0x47: {  	[tilespmem:s11], [sflag:$0x3] =	stream.linear.gather [hbm4b:s31+s2], $0x3E8, $0x38;
	[tilespmem:$0x84D0] =	vst v63  }
0x48: {  	_ =	swait.ge [sflag:s10], $0x3E8  }
0x49: {  	[sflag:s10] =	ssyncset.done $0x0  }
0x4a: {  	[sflag:s10] =	ssyncadd.s32 $0xFFFFFC18  }
0x4b: {  	[tilespmem:s12], [sflag:$0x1] =	stream.indirect.gather [hbm4b:s3+s11], $0x10, s2, s11, $0xb8;
	[tilespmem:$0x84D0] =	vst v63  }
0x4c: {  	_ = 	snop  }
0x4d: {  	[tilespmem:s13], [sflag:$0x2] =	stream.indirect.gather [hbm4b:s4+s11], $0x10, s11, s11, $0xb8;
	[tilespmem:$0x84D0] =	vst v63  }
0x4e: {  	_ =	swait.ge [sflag:s14], $0x3E80  }
0x4f: {  	[sflag:s14] =	ssyncset.done $0x0  }
0x50: {  	[sflag:s14] =	ssyncadd.s32 $0xFFFFC180  }
0x51: {  	_ =	swait.ge [sflag:s15], $0x3E80  }
0x52: {  	[sflag:s15] =	ssyncset.done $0x0  }
0x53: {  	[sflag:s15] =	ssyncadd.s32 $0xFFFFC180  }
0x54: {  	[hbm4b:s18+s2] =	stream.linear.scatter [tilespmem:s12], [sflag:$0x3], $0x3E80, $0x38;
	[tilespmem:$0x84D0] =	vst v63  }
0x55: {  	s16 =	sadd.s32 $0x1, s16;
	_ =	swait.ge [sflag:s10], $0x3E80  }
0x56: {  	p0 =	sne.s32 s16, s5;
	[sflag:s10] =	ssyncset.done $0x0  }
.Ltmp1:
0x57: {  	[sflag:s10] =	ssyncadd.s32 $0xFFFFC180;
	(pc) =	sbr.rel @p0 .LBB2_1-.Ltmp1, $4  }
0x58: {  	[hbm4b:s17+s2] =	stream.linear.scatter [tilespmem:s13], [sflag:$0x3], $0x3E80, $0x38;
	[tilespmem:$0x84D0] =	vst v63  }
0x59: {  	_ =	swait.ge [sflag:s10], $0x3E80  }
0x5a: {  	[sflag:s10] =	ssyncset.done $0x0  }
0x5b: {  	[sflag:s10] =	ssyncadd.s32 $0xFFFFC180  }
0x5c: {  	_ =	sfence.sel $0x180000  }
0x5d: {  	[bflag:$0x0] =	sbarrier.arrive $0xFFFF  }
0x5e: {  	p0 =	sne.s32 s1, $0x0;
	_ =	strace $0x9000004A  }
0x5f: {  	s0 =	sadd.s32 @!p0 $0x100000, s0;
	[bflag:$0x2] =	sbarrier.arrive $0xFFFF  }
0x60: {  	[sflag:s0] =	ssyncadd.tile.s32 @!p0 $0x1;
	_ =	shalt  }
.Lfunc_end2:
_tile_overlayer_lowered:
.L_overlay_start_2:
0x61: {  	(tag) =	ssettag $0x2  }
0x62: {  	s0 =	rddreg [dreg:$0x0];
	s2 =	stileid.u32  }
0x63: {  	s1 =	rddreg [dreg:$0x1];
	p0 =	sne.s32 s2, $0x0  }
0x64: {  	s3 =	rddreg [dreg:$0x2];
	[bflag:$0x3] =	sbarrier.arrive $0xFFFF;
	s2 =	simm.s32 @!p0 $0x1C03  }
0x65: {  	[timem:s3], [sflag:s2] =	dma.local @!p0 [hbm:s0], s1  }
0x66: {  	s0 =	simm.s32 @!p0 $0x3  }
0x67: {  	_ =	swait.ge @!p0 [sflag:s0], s1  }
0x68: {  	s1 =	ssub.s32 @!p0 $0x0, s1;
	[sflag:s0] =	ssyncset.done @!p0 $0x0  }
0x69: {  	[sflag:s0] =	ssyncadd.s32 @!p0 s1  }
0x6a: {  	[bflag:$0x3] =	sbarrier.arrive $0xFFFF  }
0x6b: {  	_ =	shalt  }

</sc_bundles>
